<compile_context>
chip_gen: v7x
topology: tpu7x:2x2x1
jax: 0.10.2.dev20260603
libtpu: 0.0.44.dev20260713+nightly
codegen_flags: <defaults>
</compile_context>

<pallas_src>
import jax
import jax.numpy as jnp
import numpy as np
from jax import lax
from jax.experimental import pallas as pl
from jax.experimental.pallas import tpu as pltpu
from jax.experimental.pallas import tpu_sc as plsc

ITEM_NUM = 1000000
EMBED = 96
EMB_P = 128
FEATURE_GROUPS = [20, 20, 10, 10, 2, 2, 2, 1, 1, 1]
B = 1024
F = sum(FEATURE_GROUPS)
FPAD = 72
FC = 12
NF = FPAD // FC

NC, NS = 2, 16
NW = NC * NS
U_ROWS = FPAD * B
U_PER_TILE = U_ROWS // NW
CHUNK = 128
NCHUNK = U_PER_TILE // CHUNK
L_PER_TILE = B // NW


def _sc_gather_body(idx_u_hbm, idx_l_hbm, table_hbm, out_u_hbm, out_l_hbm,
                    idx_v, rows_v, lidx_v, lrows_v, sem):
  wid = lax.axis_index("s") * NC + lax.axis_index("c")

  def chunk_step(c, _):
    pltpu.sync_copy(idx_u_hbm.at[wid * NCHUNK + c], idx_v)
    pltpu.async_copy(table_hbm.at[idx_v], rows_v, sem).wait()
    pltpu.sync_copy(rows_v, out_u_hbm.at[pl.ds((wid * NCHUNK + c) * CHUNK, CHUNK)])
    return 0

  lax.fori_loop(0, NCHUNK, chunk_step, 0)

  pltpu.sync_copy(idx_l_hbm.at[wid], lidx_v)
  pltpu.async_copy(table_hbm.at[lidx_v], lrows_v, sem).wait()
  pltpu.sync_copy(lrows_v, out_l_hbm.at[pl.ds(wid * L_PER_TILE, L_PER_TILE)])


def _make_sc_gather():
  return pl.kernel(
      _sc_gather_body,
      out_type=[
          jax.ShapeDtypeStruct((U_ROWS, EMB_P), jnp.float32),
          jax.ShapeDtypeStruct((B, EMB_P), jnp.float32),
      ],
      mesh=plsc.VectorSubcoreMesh(core_axis_name="c", subcore_axis_name="s",
                                  num_cores=NC, num_subcores=NS),
      scratch_types=[
          pltpu.VMEM((CHUNK,), jnp.int32),
          pltpu.VMEM((CHUNK, EMB_P), jnp.float32),
          pltpu.VMEM((L_PER_TILE,), jnp.int32),
          pltpu.VMEM((L_PER_TILE, EMB_P), jnp.float32),
          pltpu.SemaphoreType.DMA,
      ],
  )


def _sc_gather(idx_u, idx_l, table):
  return _make_sc_gather()(idx_u, idx_l, table)


_BN_S = 1.0 / np.sqrt(1.0 + 1e-05)


def _dice(x, alpha):
  xp = jax.nn.sigmoid(x * (1.0 / np.sqrt(1.0 + 1e-09)))
  return alpha * (1.0 - xp) * x + xp * x


def _tc_body(u_ref, q_ref, wrep_ref, a_ref, bm_ref, c_ref, b1_ref, al1_ref,
             w2_ref, b2_ref, w3_ref, b3_ref, wf1b_ref, bf1_ref, af1_ref,
             wf2_ref, bf2_ref, af2_ref, wf3_ref, bf3_ref, out_ref, acc_ref):
  i = pl.program_id(0)

  @pl.when(i == 0)
  def _():
    acc_ref[...] = jnp.zeros_like(acc_ref)

  q = q_ref[...]
  u = u_ref[...]
  hq = jnp.dot(q, a_ref[...], preferred_element_type=jnp.float32) + b1_ref[...]
  qrep = jnp.broadcast_to(q[None], (FC, B, EMB_P)).reshape(FC * B, EMB_P)
  h = (jnp.dot(u, bm_ref[...], preferred_element_type=jnp.float32)
       + jnp.dot(qrep * u, c_ref[...], preferred_element_type=jnp.float32)
       + jnp.broadcast_to(hq[None], (FC, B, 64)).reshape(FC * B, 64))
  h = _dice(h, al1_ref[...])
  h = jnp.dot(h, w2_ref[...], preferred_element_type=jnp.float32) + b2_ref[...]
  att = jnp.dot(h, w3_ref[...], preferred_element_type=jnp.float32) + b3_ref[...]
  pre = u * att

  acc = acc_ref[...]
  for k in range(FC):
    acc = acc + jnp.dot(pre[k * B:(k + 1) * B],
                        wrep_ref[k * EMB_P:(k + 1) * EMB_P],
                        preferred_element_type=jnp.float32)
  acc_ref[...] = acc

  @pl.when(i == NF - 1)
  def _():
    x1 = (acc_ref[...] + jnp.dot(q, wf1b_ref[...],
                                 preferred_element_type=jnp.float32)
          + bf1_ref[...]) * _BN_S
    h1 = _dice(x1, af1_ref[...])
    h2 = _dice((jnp.dot(h1, wf2_ref[...], preferred_element_type=jnp.float32)
                + bf2_ref[...]) * _BN_S, af2_ref[...])
    out_ref[...] = (jnp.dot(h2, wf3_ref[...], preferred_element_type=jnp.float32)
                    + bf3_ref[...])


def _tc_call(u_t, q, wrep, *ws):
  def full(shape):
    return pl.BlockSpec(shape, lambda i: (0,) * len(shape))
  in_specs = [
      pl.BlockSpec((FC * B, EMB_P), lambda i: (i, 0)),
      full((B, EMB_P)),
      pl.BlockSpec((FC * EMB_P, 200), lambda i: (i, 0)),
  ] + [full(w.shape) for w in ws]
  return pl.pallas_call(
      _tc_body,
      grid=(NF,),
      in_specs=in_specs,
      out_specs=pl.BlockSpec((B, 1), lambda i: (0, 0)),
      out_shape=jax.ShapeDtypeStruct((B, 1), jnp.float32),
      scratch_shapes=[pltpu.VMEM((B, 200), jnp.float32)],
  )(u_t, q, wrep, *ws)


def _pad_rows(w, rows=EMB_P - EMBED):
  return jnp.concatenate([w, jnp.zeros((rows, w.shape[1]), w.dtype)], axis=0)


_PAD_BLK = 16384


def _pad_body(t_ref, o_ref):
  eye = (lax.broadcasted_iota(jnp.int32, (EMBED, EMB_P), 0)
         == lax.broadcasted_iota(jnp.int32, (EMBED, EMB_P), 1)
         ).astype(jnp.float32)
  o_ref[...] = lax.dot_general(
      t_ref[...], eye, (((0,), (0,)), ((), ())),
      preferred_element_type=jnp.float32)


def _pad_table(table_t):
  n = table_t.shape[1]
  grid = (n + _PAD_BLK - 1) // _PAD_BLK
  return pl.pallas_call(
      _pad_body,
      grid=(grid,),
      in_specs=[pl.BlockSpec((EMBED, _PAD_BLK), lambda i: (0, i))],
      out_specs=pl.BlockSpec((_PAD_BLK, EMB_P), lambda i: (i, 0)),
      out_shape=jax.ShapeDtypeStruct((n, EMB_P), jnp.float32),
  )(table_t)


def kernel(batch_user, batch_label, table, W1, b1, alpha1, W2, b2, W3, b3,
           Wf1, bf1, af1, Wf2, bf2, af2, Wf3, bf3):
  batch_user = batch_user.astype(jnp.int32)
  table_p = _pad_table(table.T)

  pad_idx = (jnp.arange((FPAD - F) * B, dtype=jnp.int32) * 997) % ITEM_NUM
  idx_u = jnp.concatenate([batch_user.T.reshape(-1), pad_idx])
  idx_u = idx_u.reshape(NW * NCHUNK, CHUNK)
  idx_l = batch_label.astype(jnp.int32).reshape(NW, L_PER_TILE)

  u_t, q = _sc_gather(idx_u, idx_l, table_p)

  A = _pad_rows(W1[0:EMBED] + W1[2 * EMBED:3 * EMBED])
  Bm = _pad_rows(W1[EMBED:2 * EMBED] - W1[2 * EMBED:3 * EMBED])
  C = _pad_rows(W1[3 * EMBED:4 * EMBED])
  gof = np.repeat(np.arange(10), FEATURE_GROUPS)
  gof = np.concatenate([gof, np.full(FPAD - F, 10)]).astype(np.int32)
  wf1p = jnp.pad(Wf1[:960].reshape(10, EMBED, 200),
                 ((0, 1), (0, EMB_P - EMBED), (0, 0)))
  wrep = wf1p[gof].reshape(FPAD * EMB_P, 200)
  wf1b = _pad_rows(Wf1[960:])

  return _tc_call(u_t, q, wrep, A, Bm, C, b1[None], alpha1[None], W2,
                  b2[None], W3, b3[None], wf1b, bf1[None], af1[None], Wf2,
                  bf2[None], af2[None], Wf3, bf3[None])

# --- scband reference (transcript-rebuilt; emitter-appended) ---
"""Pipeline reference for scband-deep-interest-network-31628139167809 (READ-ONLY COPY).

The authoritative reference and input builder live on the scoring server;
editing this copy changes nothing except your own understanding.
"""

import jax, jax.numpy as jnp
import numpy as np

ITEM_NUM = 1000000
EMBED = 96
FEATURE_GROUPS = [20, 20, 10, 10, 2, 2, 2, 1, 1, 1]


def _window_matrix():
    F = sum(FEATURE_GROUPS)
    wm = np.zeros((len(FEATURE_GROUPS), F), dtype=np.float32)
    s = 0
    for i, f in enumerate(FEATURE_GROUPS):
        wm[i, s:s + f] = 1.0
        s += f
    return jnp.asarray(wm)


def _dice(x, alpha, eps=1e-09):
    # Dice with BatchNorm1d in eval mode (running_mean=0, running_var=1, gamma=1, beta=0)
    xp = jax.nn.sigmoid(x / jnp.sqrt(1.0 + eps))
    return alpha * (1.0 - xp) * x + xp * x


def _xavier(k, fan_in, fan_out):
    std = float(np.sqrt(2.0 / (fan_in + fan_out)))
    return jax.random.normal(k, (fan_in, fan_out), dtype=jnp.float32) * std


def setup_inputs(seed: int = 0):
    key = jax.random.key(seed)
    ks = jax.random.split(key, 16)
    B = 1024
    F = sum(FEATURE_GROUPS)
    batch_user = jax.random.randint(ks[0], (B, F), 0, ITEM_NUM + 1, dtype=jnp.int64) if jax.config.jax_enable_x64 else jax.random.randint(ks[0], (B, F), 0, ITEM_NUM + 1, dtype=jnp.int32)
    batch_label = jax.random.randint(ks[1], (B, 1), 0, ITEM_NUM, dtype=batch_user.dtype)
    table = jax.random.normal(ks[2], (ITEM_NUM + 1, EMBED), dtype=jnp.float32) * 0.0001
    table = table.at[ITEM_NUM].set(0.0)  # padding_idx row
    W1 = _xavier(ks[3], 4 * EMBED, 64); b1 = jnp.zeros((64,), jnp.float32)
    alpha1 = jax.random.uniform(ks[4], (64,), dtype=jnp.float32)
    W2 = _xavier(ks[5], 64, 16); b2 = jnp.zeros((16,), jnp.float32)
    W3 = _xavier(ks[6], 16, 1); b3 = jnp.zeros((1,), jnp.float32)
    in_f = (len(FEATURE_GROUPS) + 1) * EMBED
    Wf1 = _xavier(ks[7], in_f, 200); bf1 = jnp.zeros((200,), jnp.float32)
    af1 = jax.random.uniform(ks[8], (200,), dtype=jnp.float32)
    Wf2 = _xavier(ks[9], 200, 80); bf2 = jnp.zeros((80,), jnp.float32)
    af2 = jax.random.uniform(ks[10], (80,), dtype=jnp.float32)
    Wf3 = _xavier(ks[11], 80, 1); bf3 = jnp.zeros((1,), jnp.float32)
    return {
        'batch_user': batch_user, 'batch_label': batch_label, 'table': table,
        'W1': W1, 'b1': b1, 'alpha1': alpha1, 'W2': W2, 'b2': b2, 'W3': W3, 'b3': b3,
        'Wf1': Wf1, 'bf1': bf1, 'af1': af1, 'Wf2': Wf2, 'bf2': bf2, 'af2': af2,
        'Wf3': Wf3, 'bf3': bf3,
    }


def reference(batch_user, batch_label, table, W1, b1, alpha1, W2, b2, W3, b3,
              Wf1, bf1, af1, Wf2, bf2, af2, Wf3, bf3):
    B, F = batch_user.shape
    mask = batch_user < ITEM_NUM
    user_emb = jnp.take(table, batch_user, axis=0)          # [B, F, 96] gather
    label_emb = jnp.take(table, batch_label.reshape(-1), axis=0)  # [B, 96]
    q = jnp.broadcast_to(label_emb[:, None, :], (B, F, EMBED)).reshape(B * F, EMBED)
    u = user_emb.reshape(B * F, EMBED)
    # LocalActivationUnit: fc1 = Linear -> Dice(64) -> Dropout(eval) -> Linear; fc2 = Linear
    cat = jnp.concatenate([q, u, q - u, q * u], axis=-1)    # [B*F, 384]
    h = _dice(cat @ W1 + b1, alpha1)
    h = h @ W2 + b2
    att = (h @ W3 + b3).reshape(B, F, 1)
    # mask out padded positions (dense equivalent of boolean scatter in torch)
    pre = jnp.where(mask[:, :, None], user_emb * att, 0.0)  # [B, F, 96]
    wm = _window_matrix()                                    # [10, 69] buffer
    pooled = jnp.einsum('gf,bfd->bgd', wm, pre).reshape(B, -1)  # [B, 960]
    x = jnp.concatenate([pooled, label_emb], axis=-1)        # [B, 1056]
    # fc_layer: Linear -> BN(eval) -> Dice -> Dropout(eval) -> Linear -> BN(eval) -> Dice -> Dropout(eval) -> Linear
    bn_s = 1.0 / jnp.sqrt(1.0 + 1e-05)
    h = (x @ Wf1 + bf1) * bn_s
    h = _dice(h, af1)
    h = (h @ Wf2 + bf2) * bn_s
    h = _dice(h, af2)
    out = h @ Wf3 + bf3                                      # [B, 1]
    return out

if __name__ == "__main__":
    import jax
    _d = setup_inputs()
    print(jax.jit(kernel)(*tuple(_d.values())))

</pallas_src>

<mosaic_0001>
#map = affine_map<(d0, d1) -> (0, 0)>
module attributes {stable_mosaic.version = 14 : i64} {
  func.func @_sc_gather_body(%arg0: i32, %arg1: i32, %arg2: memref<576x128xi32, #tpu.memory_space<hbm>>, %arg3: memref<32x32xi32, #tpu.memory_space<hbm>>, %arg4: memref<1000001x128xf32, #tpu.memory_space<hbm>>, %arg5: memref<73728x128xf32, #tpu.memory_space<hbm>>, %arg6: memref<1024x128xf32, #tpu.memory_space<hbm>>, %arg7: memref<128xi32, #tpu.memory_space<vmem>>, %arg8: memref<128x128xf32, #tpu.memory_space<vmem>>, %arg9: memref<32xi32, #tpu.memory_space<vmem>>, %arg10: memref<32x128xf32, #tpu.memory_space<vmem>>, %arg11: memref<!tpu.dma_semaphore, #tpu.memory_space<semaphore_mem>>) attributes {dimension_semantics = [#tpu.dimension_semantics<core_parallel>, #tpu.dimension_semantics<subcore_parallel>], iteration_bounds = array<i64: 2, 16>, scalar_prefetch = 0 : i64, scratch_operands = 5 : i64, tpu.core_type = #tpu.core_type<sc_vector_subcore>, window_params = [{transform_indices = #map}, {transform_indices = #map}, {transform_indices = #map}, {transform_indices = #map}, {transform_indices = #map}]} {
    %mul3A = arith.constant 2 : i32
    %mul3A_0 = arith.muli %arg1, %mul3A : i32
    %add3A = arith.addi %mul3A_0, %arg0 : i32
    %scan3A = arith.constant 0 : i32
    %scan3A_1 = arith.constant 0 : i32
    %scan3A_2 = arith.constant 18 : i32
    %scan3A_3 = arith.addi %scan3A_1, %scan3A_2 : i32
    %scan3A_4 = arith.constant 1 : i32
    %scan3A_5 = scf.for %scan3A_13 = %scan3A_1 to %scan3A_3 step %scan3A_4 iter_args(%scan3A_14 = %scan3A) -> (i32)  : i32 {
      %mul3A_15 = arith.constant 18 : i32
      %mul3A_16 = arith.muli %add3A, %mul3A_15 : i32
      %add3A_17 = arith.addi %mul3A_16, %scan3A_13 : i32
      "tpu.region"() ({
        %run_scoped3A = tpu.sem_alloc : memref<!tpu.dma_semaphore, #tpu.memory_space<semaphore_mem>>
        %dma_start3A_30 = arith.constant 0 : i32
        %dma_start3A_31 = tpu.memref_slice %arg2[%add3A_17, %dma_start3A_30] : memref<576x128xi32, #tpu.memory_space<hbm>> -> memref<1x128xi32, #tpu.memory_space<hbm>>
        %dma_start3A_32 = tpu.memref_squeeze %dma_start3A_31 : memref<1x128xi32, #tpu.memory_space<hbm>> -> memref<128xi32, #tpu.memory_space<hbm>>
        %dma_start3A_33 = arith.constant 0 : i32
        %dma_start3A_34 = tpu.memref_slice %arg2[%add3A_17, %dma_start3A_33] : memref<576x128xi32, #tpu.memory_space<hbm>> -> memref<1x128xi32, #tpu.memory_space<hbm>>
        %dma_start3A_35 = tpu.memref_squeeze %dma_start3A_34 : memref<1x128xi32, #tpu.memory_space<hbm>> -> memref<128xi32, #tpu.memory_space<hbm>>
        tpu.enqueue_dma source(%dma_start3A_35 : memref<128xi32, #tpu.memory_space<hbm>>) target(%arg7 : memref<128xi32, #tpu.memory_space<vmem>>) target_semaphore(%run_scoped3A : memref<!tpu.dma_semaphore, #tpu.memory_space<semaphore_mem>>)
        %dma_wait3A_36 = arith.constant 0 : i32
        %dma_wait3A_37 = tpu.memref_slice %arg2[%add3A_17, %dma_wait3A_36] : memref<576x128xi32, #tpu.memory_space<hbm>> -> memref<1x128xi32, #tpu.memory_space<hbm>>
        %dma_wait3A_38 = tpu.memref_squeeze %dma_wait3A_37 : memref<1x128xi32, #tpu.memory_space<hbm>> -> memref<128xi32, #tpu.memory_space<hbm>>
        %dma_wait3A_39 = arith.constant 0 : i32
        %dma_wait3A_40 = tpu.memref_slice %arg2[%add3A_17, %dma_wait3A_39] : memref<576x128xi32, #tpu.memory_space<hbm>> -> memref<1x128xi32, #tpu.memory_space<hbm>>
        %dma_wait3A_41 = tpu.memref_squeeze %dma_wait3A_40 : memref<1x128xi32, #tpu.memory_space<hbm>> -> memref<128xi32, #tpu.memory_space<hbm>>
        tpu.wait_dma2 semaphore(%run_scoped3A : memref<!tpu.dma_semaphore, #tpu.memory_space<semaphore_mem>>) src(%dma_wait3A_41 : memref<128xi32, #tpu.memory_space<hbm>>) dst(%arg7 : memref<128xi32, #tpu.memory_space<vmem>>)
        tpu.yield
      }) : () -> ()
      %dma_start3A_18 = arith.constant 0 : i32
      %dma_start3A_19 = arith.constant 0 : i32
      %dma_start3A_20 = tpu.memref_slice %arg4[%dma_start3A_18, %dma_start3A_19] : memref<1000001x128xf32, #tpu.memory_space<hbm>> -> memref<1000001x128xf32, #tpu.memory_space<hbm>>
      tpu.enqueue_indirect_dma source(%dma_start3A_20 : memref<1000001x128xf32, #tpu.memory_space<hbm>>) target(%arg8 : memref<128x128xf32, #tpu.memory_space<vmem>>) offsets(%arg7 : memref<128xi32, #tpu.memory_space<vmem>>) semaphore(%arg11 : memref<!tpu.dma_semaphore, #tpu.memory_space<semaphore_mem>>)
      %dma_wait3A_21 = arith.constant 0 : i32
      %dma_wait3A_22 = arith.constant 0 : i32
      %dma_wait3A_23 = tpu.memref_slice %arg4[%dma_wait3A_21, %dma_wait3A_22] : memref<1000001x128xf32, #tpu.memory_space<hbm>> -> memref<1000001x128xf32, #tpu.memory_space<hbm>>
      tpu.wait_indirect_dma semaphore(%arg11 : memref<!tpu.dma_semaphore, #tpu.memory_space<semaphore_mem>>) src(%dma_wait3A_23 : memref<1000001x128xf32, #tpu.memory_space<hbm>>) dst(%arg8 : memref<128x128xf32, #tpu.memory_space<vmem>>)
      %mul3A_24 = arith.constant 18 : i32
      %mul3A_25 = arith.muli %add3A, %mul3A_24 : i32
      %add3A_26 = arith.addi %mul3A_25, %scan3A_13 : i32
      %mul3A_27 = arith.constant 128 : i32
      %mul3A_28 = arith.muli %add3A_26, %mul3A_27 : i32
      "tpu.region"() ({
        %run_scoped3A = tpu.sem_alloc : memref<!tpu.dma_semaphore, #tpu.memory_space<semaphore_mem>>
        %dma_start3A_30 = arith.constant 0 : i32
        %dma_start3A_31 = tpu.memref_slice %arg5[%mul3A_28, %dma_start3A_30] : memref<73728x128xf32, #tpu.memory_space<hbm>> -> memref<128x128xf32, #tpu.memory_space<hbm>>
        %dma_start3A_32 = arith.constant 0 : i32
        %dma_start3A_33 = tpu.memref_slice %arg5[%mul3A_28, %dma_start3A_32] : memref<73728x128xf32, #tpu.memory_space<hbm>> -> memref<128x128xf32, #tpu.memory_space<hbm>>
        tpu.enqueue_dma source(%arg8 : memref<128x128xf32, #tpu.memory_space<vmem>>) target(%dma_start3A_33 : memref<128x128xf32, #tpu.memory_space<hbm>>) target_semaphore(%run_scoped3A : memref<!tpu.dma_semaphore, #tpu.memory_space<semaphore_mem>>)
        %dma_wait3A_34 = arith.constant 0 : i32
        %dma_wait3A_35 = tpu.memref_slice %arg5[%mul3A_28, %dma_wait3A_34] : memref<73728x128xf32, #tpu.memory_space<hbm>> -> memref<128x128xf32, #tpu.memory_space<hbm>>
        %dma_wait3A_36 = arith.constant 0 : i32
        %dma_wait3A_37 = tpu.memref_slice %arg5[%mul3A_28, %dma_wait3A_36] : memref<73728x128xf32, #tpu.memory_space<hbm>> -> memref<128x128xf32, #tpu.memory_space<hbm>>
        tpu.wait_dma2 semaphore(%run_scoped3A : memref<!tpu.dma_semaphore, #tpu.memory_space<semaphore_mem>>) src(%arg8 : memref<128x128xf32, #tpu.memory_space<vmem>>) dst(%dma_wait3A_37 : memref<128x128xf32, #tpu.memory_space<hbm>>)
        tpu.yield
      }) : () -> ()
      %scan3A_29 = arith.constant 0 : i32
      scf.yield %scan3A_29 : i32
    }
    %scan3A_6 = arith.constant 18 : i32
    "tpu.region"() ({
      %run_scoped3A = tpu.sem_alloc : memref<!tpu.dma_semaphore, #tpu.memory_space<semaphore_mem>>
      %dma_start3A_13 = arith.constant 0 : i32
      %dma_start3A_14 = tpu.memref_slice %arg3[%add3A, %dma_start3A_13] : memref<32x32xi32, #tpu.memory_space<hbm>> -> memref<1x32xi32, #tpu.memory_space<hbm>>
      %dma_start3A_15 = tpu.memref_squeeze %dma_start3A_14 : memref<1x32xi32, #tpu.memory_space<hbm>> -> memref<32xi32, #tpu.memory_space<hbm>>
      %dma_start3A_16 = arith.constant 0 : i32
      %dma_start3A_17 = tpu.memref_slice %arg3[%add3A, %dma_start3A_16] : memref<32x32xi32, #tpu.memory_space<hbm>> -> memref<1x32xi32, #tpu.memory_space<hbm>>
      %dma_start3A_18 = tpu.memref_squeeze %dma_start3A_17 : memref<1x32xi32, #tpu.memory_space<hbm>> -> memref<32xi32, #tpu.memory_space<hbm>>
      tpu.enqueue_dma source(%dma_start3A_18 : memref<32xi32, #tpu.memory_space<hbm>>) target(%arg9 : memref<32xi32, #tpu.memory_space<vmem>>) target_semaphore(%run_scoped3A : memref<!tpu.dma_semaphore, #tpu.memory_space<semaphore_mem>>)
      %dma_wait3A_19 = arith.constant 0 : i32
      %dma_wait3A_20 = tpu.memref_slice %arg3[%add3A, %dma_wait3A_19] : memref<32x32xi32, #tpu.memory_space<hbm>> -> memref<1x32xi32, #tpu.memory_space<hbm>>
      %dma_wait3A_21 = tpu.memref_squeeze %dma_wait3A_20 : memref<1x32xi32, #tpu.memory_space<hbm>> -> memref<32xi32, #tpu.memory_space<hbm>>
      %dma_wait3A_22 = arith.constant 0 : i32
      %dma_wait3A_23 = tpu.memref_slice %arg3[%add3A, %dma_wait3A_22] : memref<32x32xi32, #tpu.memory_space<hbm>> -> memref<1x32xi32, #tpu.memory_space<hbm>>
      %dma_wait3A_24 = tpu.memref_squeeze %dma_wait3A_23 : memref<1x32xi32, #tpu.memory_space<hbm>> -> memref<32xi32, #tpu.memory_space<hbm>>
      tpu.wait_dma2 semaphore(%run_scoped3A : memref<!tpu.dma_semaphore, #tpu.memory_space<semaphore_mem>>) src(%dma_wait3A_24 : memref<32xi32, #tpu.memory_space<hbm>>) dst(%arg9 : memref<32xi32, #tpu.memory_space<vmem>>)
      tpu.yield
    }) : () -> ()
    %dma_start3A = arith.constant 0 : i32
    %dma_start3A_7 = arith.constant 0 : i32
    %dma_start3A_8 = tpu.memref_slice %arg4[%dma_start3A, %dma_start3A_7] : memref<1000001x128xf32, #tpu.memory_space<hbm>> -> memref<1000001x128xf32, #tpu.memory_space<hbm>>
    tpu.enqueue_indirect_dma source(%dma_start3A_8 : memref<1000001x128xf32, #tpu.memory_space<hbm>>) target(%arg10 : memref<32x128xf32, #tpu.memory_space<vmem>>) offsets(%arg9 : memref<32xi32, #tpu.memory_space<vmem>>) semaphore(%arg11 : memref<!tpu.dma_semaphore, #tpu.memory_space<semaphore_mem>>)
    %dma_wait3A = arith.constant 0 : i32
    %dma_wait3A_9 = arith.constant 0 : i32
    %dma_wait3A_10 = tpu.memref_slice %arg4[%dma_wait3A, %dma_wait3A_9] : memref<1000001x128xf32, #tpu.memory_space<hbm>> -> memref<1000001x128xf32, #tpu.memory_space<hbm>>
    tpu.wait_indirect_dma semaphore(%arg11 : memref<!tpu.dma_semaphore, #tpu.memory_space<semaphore_mem>>) src(%dma_wait3A_10 : memref<1000001x128xf32, #tpu.memory_space<hbm>>) dst(%arg10 : memref<32x128xf32, #tpu.memory_space<vmem>>)
    %mul3A_11 = arith.constant 32 : i32
    %mul3A_12 = arith.muli %add3A, %mul3A_11 : i32
    "tpu.region"() ({
      %run_scoped3A = tpu.sem_alloc : memref<!tpu.dma_semaphore, #tpu.memory_space<semaphore_mem>>
      %dma_start3A_13 = arith.constant 0 : i32
      %dma_start3A_14 = tpu.memref_slice %arg6[%mul3A_12, %dma_start3A_13] : memref<1024x128xf32, #tpu.memory_space<hbm>> -> memref<32x128xf32, #tpu.memory_space<hbm>>
      %dma_start3A_15 = arith.constant 0 : i32
      %dma_start3A_16 = tpu.memref_slice %arg6[%mul3A_12, %dma_start3A_15] : memref<1024x128xf32, #tpu.memory_space<hbm>> -> memref<32x128xf32, #tpu.memory_space<hbm>>
      tpu.enqueue_dma source(%arg10 : memref<32x128xf32, #tpu.memory_space<vmem>>) target(%dma_start3A_16 : memref<32x128xf32, #tpu.memory_space<hbm>>) target_semaphore(%run_scoped3A : memref<!tpu.dma_semaphore, #tpu.memory_space<semaphore_mem>>)
      %dma_wait3A_17 = arith.constant 0 : i32
      %dma_wait3A_18 = tpu.memref_slice %arg6[%mul3A_12, %dma_wait3A_17] : memref<1024x128xf32, #tpu.memory_space<hbm>> -> memref<32x128xf32, #tpu.memory_space<hbm>>
      %dma_wait3A_19 = arith.constant 0 : i32
      %dma_wait3A_20 = tpu.memref_slice %arg6[%mul3A_12, %dma_wait3A_19] : memref<1024x128xf32, #tpu.memory_space<hbm>> -> memref<32x128xf32, #tpu.memory_space<hbm>>
      tpu.wait_dma2 semaphore(%run_scoped3A : memref<!tpu.dma_semaphore, #tpu.memory_space<semaphore_mem>>) src(%arg10 : memref<32x128xf32, #tpu.memory_space<vmem>>) dst(%dma_wait3A_20 : memref<32x128xf32, #tpu.memory_space<hbm>>)
      tpu.yield
    }) : () -> ()
    return
  }
}

module attributes {stable_mosaic.version = 14 : i64} {
  func.func @_pad_body(%arg0: i32, %arg1: memref<96x16384xf32, #tpu.memory_space<vmem>>, %arg2: memref<16384x128xf32, #tpu.memory_space<vmem>>) attributes {dimension_semantics = [#tpu.dimension_semantics<arbitrary>], iteration_bounds = array<i64: 62>, scalar_prefetch = 0 : i64, scratch_operands = 0 : i64, tpu.core_type = #tpu.core_type<tc>, window_params = [{transform_indices = @transform_0, window_bounds = array<i64: 96, 16384>}, {transform_indices = @transform_1, window_bounds = array<i64: 16384, 128>}]} {
    %iota3A = tpu.iota {dimensions = array<i32: 0>} : vector<96x128xi32>
    %iota3A_0 = tpu.iota {dimensions = array<i32: 1>} : vector<96x128xi32>
    %eq3A = arith.cmpi eq, %iota3A, %iota3A_0 : vector<96x128xi32>
    %convert_element_type3A = arith.extui %eq3A : vector<96x128xi1> to vector<96x128xi32>
    %convert_element_type3A_1 = arith.sitofp %convert_element_type3A : vector<96x128xi32> to vector<96x128xf32>
    %get3A = arith.constant 0 : index
    %get3A_2 = arith.constant 0 : index
    %get3A_3 = vector.load %arg1[%get3A, %get3A_2] : memref<96x16384xf32, #tpu.memory_space<vmem>>, vector<96x16384xf32>
    %dot_general3A = arith.constant dense<0.000000e+00> : vector<16384x128xf32>
    %dot_general3A_4 = tpu.matmul %get3A_3, %convert_element_type3A_1, %dot_general3A {dimension_numbers = #tpu.dot_dimension_numbers<[0], [0], [1], [1], [0, 1, 1, 1], [], []>, transpose_lhs_hint = false} : vector<96x16384xf32>, vector<96x128xf32>, vector<16384x128xf32> -> vector<16384x128xf32>
    %swap3A = arith.constant 0 : index
    %swap3A_5 = arith.constant 0 : index
    %swap3A_6 = vector.load %arg2[%swap3A, %swap3A_5] : memref<16384x128xf32, #tpu.memory_space<vmem>>, vector<16384x128xf32>
    tpu.vector_store %arg2[%swap3A, %swap3A_5], %dot_general3A_4 {strides = array<i32>} : memref<16384x128xf32, #tpu.memory_space<vmem>>, vector<16384x128xf32>,
    return
  }
  func.func @transform_0(%arg0: i32) -> (i32, i32) {
    %c0_i32 = arith.constant 0 : i32
    %c0_i32_0 = arith.constant 0 : i32
    return %c0_i32, %arg0 : i32, i32
  }
  func.func @transform_1(%arg0: i32) -> (i32, i32) {
    %c0_i32 = arith.constant 0 : i32
    %c0_i32_0 = arith.constant 0 : i32
    return %arg0, %c0_i32 : i32, i32
  }
}

module attributes {stable_mosaic.version = 14 : i64} {
  func.func @_tc_body(%arg0: i32, %arg1: memref<12288x128xf32, #tpu.memory_space<vmem>>, %arg2: memref<1024x128xf32, #tpu.memory_space<vmem>>, %arg3: memref<1536x200xf32, #tpu.memory_space<vmem>>, %arg4: memref<128x64xf32, #tpu.memory_space<vmem>>, %arg5: memref<128x64xf32, #tpu.memory_space<vmem>>, %arg6: memref<128x64xf32, #tpu.memory_space<vmem>>, %arg7: memref<1x64xf32, #tpu.memory_space<vmem>>, %arg8: memref<1x64xf32, #tpu.memory_space<vmem>>, %arg9: memref<64x16xf32, #tpu.memory_space<vmem>>, %arg10: memref<1x16xf32, #tpu.memory_space<vmem>>, %arg11: memref<16x1xf32, #tpu.memory_space<vmem>>, %arg12: memref<1x1xf32, #tpu.memory_space<vmem>>, %arg13: memref<128x200xf32, #tpu.memory_space<vmem>>, %arg14: memref<1x200xf32, #tpu.memory_space<vmem>>, %arg15: memref<1x200xf32, #tpu.memory_space<vmem>>, %arg16: memref<200x80xf32, #tpu.memory_space<vmem>>, %arg17: memref<1x80xf32, #tpu.memory_space<vmem>>, %arg18: memref<1x80xf32, #tpu.memory_space<vmem>>, %arg19: memref<80x1xf32, #tpu.memory_space<vmem>>, %arg20: memref<1x1xf32, #tpu.memory_space<vmem>>, %arg21: memref<1024x1xf32, #tpu.memory_space<vmem>>, %arg22: memref<1024x200xf32, #tpu.memory_space<vmem>>) attributes {dimension_semantics = [#tpu.dimension_semantics<arbitrary>], iteration_bounds = array<i64: 6>, scalar_prefetch = 0 : i64, scratch_operands = 1 : i64, tpu.core_type = #tpu.core_type<tc>, window_params = [{transform_indices = @transform_0, window_bounds = array<i64: 12288, 128>}, {pipeline_mode = #tpu.pipeline_mode<synchronous>, transform_indices = @transform_1, window_bounds = array<i64: 1024, 128>}, {transform_indices = @transform_2, window_bounds = array<i64: 1536, 200>}, {pipeline_mode = #tpu.pipeline_mode<synchronous>, transform_indices = @transform_3, window_bounds = array<i64: 128, 64>}, {pipeline_mode = #tpu.pipeline_mode<synchronous>, transform_indices = @transform_4, window_bounds = array<i64: 128, 64>}, {pipeline_mode = #tpu.pipeline_mode<synchronous>, transform_indices = @transform_5, window_bounds = array<i64: 128, 64>}, {pipeline_mode = #tpu.pipeline_mode<synchronous>, transform_indices = @transform_6, window_bounds = array<i64: 1, 64>}, {pipeline_mode = #tpu.pipeline_mode<synchronous>, transform_indices = @transform_7, window_bounds = array<i64: 1, 64>}, {pipeline_mode = #tpu.pipeline_mode<synchronous>, transform_indices = @transform_8, window_bounds = array<i64: 64, 16>}, {pipeline_mode = #tpu.pipeline_mode<synchronous>, transform_indices = @transform_9, window_bounds = array<i64: 1, 16>}, {pipeline_mode = #tpu.pipeline_mode<synchronous>, transform_indices = @transform_10, window_bounds = array<i64: 16, 1>}, {pipeline_mode = #tpu.pipeline_mode<synchronous>, transform_indices = @transform_11, window_bounds = array<i64: 1, 1>}, {pipeline_mode = #tpu.pipeline_mode<synchronous>, transform_indices = @transform_12, window_bounds = array<i64: 128, 200>}, {pipeline_mode = #tpu.pipeline_mode<synchronous>, transform_indices = @transform_13, window_bounds = array<i64: 1, 200>}, {pipeline_mode = #tpu.pipeline_mode<synchronous>, transform_indices = @transform_14, window_bounds = array<i64: 1, 200>}, {pipeline_mode = #tpu.pipeline_mode<synchronous>, transform_indices = @transform_15, window_bounds = array<i64: 200, 80>}, {pipeline_mode = #tpu.pipeline_mode<synchronous>, transform_indices = @transform_16, window_bounds = array<i64: 1, 80>}, {pipeline_mode = #tpu.pipeline_mode<synchronous>, transform_indices = @transform_17, window_bounds = array<i64: 1, 80>}, {pipeline_mode = #tpu.pipeline_mode<synchronous>, transform_indices = @transform_18, window_bounds = array<i64: 80, 1>}, {pipeline_mode = #tpu.pipeline_mode<synchronous>, transform_indices = @transform_19, window_bounds = array<i64: 1, 1>}, {pipeline_mode = #tpu.pipeline_mode<synchronous>, transform_indices = @transform_20, window_bounds = array<i64: 1024, 1>}]} {
    %eq3A = arith.constant 0 : i32
    %eq3A_0 = arith.cmpi eq, %arg0, %eq3A : i32
    %convert_element_type3A = arith.extui %eq3A_0 : i1 to i32
    %cond3A = arith.constant 0 : i32
    %cond3A_1 = arith.cmpi ne, %convert_element_type3A, %cond3A : i32
    scf.if %cond3A_1 {
      %broadcast_in_dim3A_165 = arith.constant 0.000000e+00 : f32
      %broadcast_in_dim3A_166 = vector.broadcast %broadcast_in_dim3A_165 : f32 to vector<1024x200xf32>
      %swap3A_167 = arith.constant 0 : index
      %swap3A_168 = arith.constant 0 : index
      %swap3A_169 = vector.load %arg22[%swap3A_167, %swap3A_168] : memref<1024x200xf32, #tpu.memory_space<vmem>>, vector<1024x200xf32>
      tpu.vector_store %arg22[%swap3A_167, %swap3A_168], %broadcast_in_dim3A_166 {strides = array<i32>} : memref<1024x200xf32, #tpu.memory_space<vmem>>, vector<1024x200xf32>,
    } else {
    }
    %get3A = arith.constant 0 : index
    %get3A_2 = arith.constant 0 : index
    %get3A_3 = vector.load %arg2[%get3A, %get3A_2] : memref<1024x128xf32, #tpu.memory_space<vmem>>, vector<1024x128xf32>
    %get3A_4 = arith.constant 0 : index
    %get3A_5 = arith.constant 0 : index
    %get3A_6 = vector.load %arg1[%get3A_4, %get3A_5] : memref<12288x128xf32, #tpu.memory_space<vmem>>, vector<12288x128xf32>
    %get3A_7 = arith.constant 0 : index
    %get3A_8 = arith.constant 0 : index
    %get3A_9 = vector.load %arg4[%get3A_7, %get3A_8] : memref<128x64xf32, #tpu.memory_space<vmem>>, vector<128x64xf32>
    %dot_general3A = arith.constant dense<0.000000e+00> : vector<1024x64xf32>
    %dot_general3A_10 = tpu.matmul %get3A_3, %get3A_9, %dot_general3A {dimension_numbers = #tpu.dot_dimension_numbers<[1], [0], [0], [1], [0, 0, 1, 1], [], []>, transpose_lhs_hint = false} : vector<1024x128xf32>, vector<128x64xf32>, vector<1024x64xf32> -> vector<1024x64xf32>
    %get3A_11 = arith.constant 0 : index
    %get3A_12 = arith.constant 0 : index
    %get3A_13 = vector.load %arg7[%get3A_11, %get3A_12] : memref<1x64xf32, #tpu.memory_space<vmem>>, vector<1x64xf32>
    %add3A = vector.broadcast %get3A_13 : vector<1x64xf32> to vector<1024x64xf32>
    %add3A_14 = arith.addf %dot_general3A_10, %add3A : vector<1024x64xf32>
    %broadcast_in_dim3A = vector.shape_cast %get3A_3 : vector<1024x128xf32> to vector<1x1024x128xf32>
    %broadcast_in_dim3A_15 = vector.shape_cast %broadcast_in_dim3A : vector<1x1024x128xf32> to vector<1x1024x128xf32>
    %broadcast_in_dim3A_16 = vector.broadcast %broadcast_in_dim3A_15 : vector<1x1024x128xf32> to vector<12x1024x128xf32>
    %reshape3A = vector.shape_cast %broadcast_in_dim3A_16 : vector<12x1024x128xf32> to vector<12288x128xf32>
    %get3A_17 = arith.constant 0 : index
    %get3A_18 = arith.constant 0 : index
    %get3A_19 = vector.load %arg5[%get3A_17, %get3A_18] : memref<128x64xf32, #tpu.memory_space<vmem>>, vector<128x64xf32>
    %dot_general3A_20 = arith.constant dense<0.000000e+00> : vector<12288x64xf32>
    %dot_general3A_21 = tpu.matmul %get3A_6, %get3A_19, %dot_general3A_20 {dimension_numbers = #tpu.dot_dimension_numbers<[1], [0], [0], [1], [0, 0, 1, 1], [], []>, transpose_lhs_hint = false} : vector<12288x128xf32>, vector<128x64xf32>, vector<12288x64xf32> -> vector<12288x64xf32>
    %mul3A = arith.mulf %reshape3A, %get3A_6 : vector<12288x128xf32>
    %get3A_22 = arith.constant 0 : index
    %get3A_23 = arith.constant 0 : index
    %get3A_24 = vector.load %arg6[%get3A_22, %get3A_23] : memref<128x64xf32, #tpu.memory_space<vmem>>, vector<128x64xf32>
    %dot_general3A_25 = arith.constant dense<0.000000e+00> : vector<12288x64xf32>
    %dot_general3A_26 = tpu.matmul %mul3A, %get3A_24, %dot_general3A_25 {dimension_numbers = #tpu.dot_dimension_numbers<[1], [0], [0], [1], [0, 0, 1, 1], [], []>, transpose_lhs_hint = false} : vector<12288x128xf32>, vector<128x64xf32>, vector<12288x64xf32> -> vector<12288x64xf32>
    %add3A_27 = arith.addf %dot_general3A_21, %dot_general3A_26 : vector<12288x64xf32>
    %broadcast_in_dim3A_28 = vector.shape_cast %add3A_14 : vector<1024x64xf32> to vector<1x1024x64xf32>
    %broadcast_in_dim3A_29 = vector.shape_cast %broadcast_in_dim3A_28 : vector<1x1024x64xf32> to vector<1x1024x64xf32>
    %broadcast_in_dim3A_30 = vector.broadcast %broadcast_in_dim3A_29 : vector<1x1024x64xf32> to vector<12x1024x64xf32>
    %reshape3A_31 = vector.shape_cast %broadcast_in_dim3A_30 : vector<12x1024x64xf32> to vector<12288x64xf32>
    %add3A_32 = arith.addf %add3A_27, %reshape3A_31 : vector<12288x64xf32>
    %get3A_33 = arith.constant 0 : index
    %get3A_34 = arith.constant 0 : index
    %get3A_35 = vector.load %arg8[%get3A_33, %get3A_34] : memref<1x64xf32, #tpu.memory_space<vmem>>, vector<1x64xf32>
    %sqrt3A = arith.constant 1.000000e+00 : f32
    %sqrt3A_36 = math.sqrt %sqrt3A : f32
    %div3A = vector.broadcast %sqrt3A_36 : f32 to vector<12288x64xf32>
    %div3A_37 = arith.divf %add3A_32, %div3A : vector<12288x64xf32>
    %logistic3A = arith.negf %div3A_37 : vector<12288x64xf32>
    %logistic3A_38 = math.exp %logistic3A : vector<12288x64xf32>
    %logistic3A_39 = arith.constant 1.000000e+00 : f32
    %logistic3A_40 = vector.broadcast %logistic3A_39 : f32 to vector<12288x64xf32>
    %logistic3A_41 = arith.addf %logistic3A_40, %logistic3A_38 : vector<12288x64xf32>
    %logistic3A_42 = arith.divf %logistic3A_40, %logistic3A_41 : vector<12288x64xf32>
    %sub3A = arith.constant 1.000000e+00 : f32
    %sub3A_43 = vector.broadcast %sub3A : f32 to vector<12288x64xf32>
    %sub3A_44 = arith.subf %sub3A_43, %logistic3A_42 : vector<12288x64xf32>
    %mul3A_45 = vector.broadcast %get3A_35 : vector<1x64xf32> to vector<12288x64xf32>
    %mul3A_46 = arith.mulf %mul3A_45, %sub3A_44 : vector<12288x64xf32>
    %mul3A_47 = arith.mulf %mul3A_46, %add3A_32 : vector<12288x64xf32>
    %mul3A_48 = arith.mulf %logistic3A_42, %add3A_32 : vector<12288x64xf32>
    %add3A_49 = arith.addf %mul3A_47, %mul3A_48 : vector<12288x64xf32>
    %get3A_50 = arith.constant 0 : index
    %get3A_51 = arith.constant 0 : index
    %get3A_52 = vector.load %arg9[%get3A_50, %get3A_51] : memref<64x16xf32, #tpu.memory_space<vmem>>, vector<64x16xf32>
    %dot_general3A_53 = arith.constant dense<0.000000e+00> : vector<12288x16xf32>
    %dot_general3A_54 = tpu.matmul %add3A_49, %get3A_52, %dot_general3A_53 {dimension_numbers = #tpu.dot_dimension_numbers<[1], [0], [0], [1], [0, 0, 1, 1], [], []>, transpose_lhs_hint = false} : vector<12288x64xf32>, vector<64x16xf32>, vector<12288x16xf32> -> vector<12288x16xf32>
    %get3A_55 = arith.constant 0 : index
    %get3A_56 = arith.constant 0 : index
    %get3A_57 = vector.load %arg10[%get3A_55, %get3A_56] : memref<1x16xf32, #tpu.memory_space<vmem>>, vector<1x16xf32>
    %add3A_58 = vector.broadcast %get3A_57 : vector<1x16xf32> to vector<12288x16xf32>
    %add3A_59 = arith.addf %dot_general3A_54, %add3A_58 : vector<12288x16xf32>
    %get3A_60 = arith.constant 0 : index
    %get3A_61 = arith.constant 0 : index
    %get3A_62 = vector.load %arg11[%get3A_60, %get3A_61] : memref<16x1xf32, #tpu.memory_space<vmem>>, vector<16x1xf32>
    %dot_general3A_63 = arith.constant dense<0.000000e+00> : vector<12288x1xf32>
    %dot_general3A_64 = tpu.matmul %add3A_59, %get3A_62, %dot_general3A_63 {dimension_numbers = #tpu.dot_dimension_numbers<[1], [0], [0], [1], [0, 0, 1, 1], [], []>, transpose_lhs_hint = false} : vector<12288x16xf32>, vector<16x1xf32>, vector<12288x1xf32> -> vector<12288x1xf32>
    %get3A_65 = arith.constant 0 : index
    %get3A_66 = arith.constant 0 : index
    %get3A_67 = vector.load %arg12[%get3A_65, %get3A_66] : memref<1x1xf32, #tpu.memory_space<vmem>>, vector<1x1xf32>
    %add3A_68 = vector.broadcast %get3A_67 : vector<1x1xf32> to vector<12288x1xf32>
    %add3A_69 = arith.addf %dot_general3A_64, %add3A_68 : vector<12288x1xf32>
    %mul3A_70 = vector.broadcast %add3A_69 : vector<12288x1xf32> to vector<12288x128xf32>
    %mul3A_71 = arith.mulf %get3A_6, %mul3A_70 : vector<12288x128xf32>
    %get3A_72 = arith.constant 0 : index
    %get3A_73 = arith.constant 0 : index
    %get3A_74 = vector.load %arg22[%get3A_72, %get3A_73] : memref<1024x200xf32, #tpu.memory_space<vmem>>, vector<1024x200xf32>
    %slice3A = vector.extract_strided_slice %mul3A_71 {offsets = [0, 0], sizes = [1024, 128], strides = [1, 1]} : vector<12288x128xf32> to vector<1024x128xf32>
    %get3A_75 = arith.constant 0 : index
    %get3A_76 = arith.constant 0 : index
    %get3A_77 = vector.load %arg3[%get3A_75, %get3A_76] : memref<1536x200xf32, #tpu.memory_space<vmem>>, vector<128x200xf32>
    %dot_general3A_78 = arith.constant dense<0.000000e+00> : vector<1024x200xf32>
    %dot_general3A_79 = tpu.matmul %slice3A, %get3A_77, %dot_general3A_78 {dimension_numbers = #tpu.dot_dimension_numbers<[1], [0], [0], [1], [0, 0, 1, 1], [], []>, transpose_lhs_hint = false} : vector<1024x128xf32>, vector<128x200xf32>, vector<1024x200xf32> -> vector<1024x200xf32>
    %add3A_80 = arith.addf %get3A_74, %dot_general3A_79 : vector<1024x200xf32>
    %slice3A_81 = vector.extract_strided_slice %mul3A_71 {offsets = [1024, 0], sizes = [1024, 128], strides = [1, 1]} : vector<12288x128xf32> to vector<1024x128xf32>
    %get3A_82 = arith.constant 128 : index
    %get3A_83 = arith.constant 0 : index
    %get3A_84 = vector.load %arg3[%get3A_82, %get3A_83] : memref<1536x200xf32, #tpu.memory_space<vmem>>, vector<128x200xf32>
    %dot_general3A_85 = arith.constant dense<0.000000e+00> : vector<1024x200xf32>
    %dot_general3A_86 = tpu.matmul %slice3A_81, %get3A_84, %dot_general3A_85 {dimension_numbers = #tpu.dot_dimension_numbers<[1], [0], [0], [1], [0, 0, 1, 1], [], []>, transpose_lhs_hint = false} : vector<1024x128xf32>, vector<128x200xf32>, vector<1024x200xf32> -> vector<1024x200xf32>
    %add3A_87 = arith.addf %add3A_80, %dot_general3A_86 : vector<1024x200xf32>
    %slice3A_88 = vector.extract_strided_slice %mul3A_71 {offsets = [2048, 0], sizes = [1024, 128], strides = [1, 1]} : vector<12288x128xf32> to vector<1024x128xf32>
    %get3A_89 = arith.constant 256 : index
    %get3A_90 = arith.constant 0 : index
    %get3A_91 = vector.load %arg3[%get3A_89, %get3A_90] : memref<1536x200xf32, #tpu.memory_space<vmem>>, vector<128x200xf32>
    %dot_general3A_92 = arith.constant dense<0.000000e+00> : vector<1024x200xf32>
    %dot_general3A_93 = tpu.matmul %slice3A_88, %get3A_91, %dot_general3A_92 {dimension_numbers = #tpu.dot_dimension_numbers<[1], [0], [0], [1], [0, 0, 1, 1], [], []>, transpose_lhs_hint = false} : vector<1024x128xf32>, vector<128x200xf32>, vector<1024x200xf32> -> vector<1024x200xf32>
    %add3A_94 = arith.addf %add3A_87, %dot_general3A_93 : vector<1024x200xf32>
    %slice3A_95 = vector.extract_strided_slice %mul3A_71 {offsets = [3072, 0], sizes = [1024, 128], strides = [1, 1]} : vector<12288x128xf32> to vector<1024x128xf32>
    %get3A_96 = arith.constant 384 : index
    %get3A_97 = arith.constant 0 : index
    %get3A_98 = vector.load %arg3[%get3A_96, %get3A_97] : memref<1536x200xf32, #tpu.memory_space<vmem>>, vector<128x200xf32>
    %dot_general3A_99 = arith.constant dense<0.000000e+00> : vector<1024x200xf32>
    %dot_general3A_100 = tpu.matmul %slice3A_95, %get3A_98, %dot_general3A_99 {dimension_numbers = #tpu.dot_dimension_numbers<[1], [0], [0], [1], [0, 0, 1, 1], [], []>, transpose_lhs_hint = false} : vector<1024x128xf32>, vector<128x200xf32>, vector<1024x200xf32> -> vector<1024x200xf32>
    %add3A_101 = arith.addf %add3A_94, %dot_general3A_100 : vector<1024x200xf32>
    %slice3A_102 = vector.extract_strided_slice %mul3A_71 {offsets = [4096, 0], sizes = [1024, 128], strides = [1, 1]} : vector<12288x128xf32> to vector<1024x128xf32>
    %get3A_103 = arith.constant 512 : index
    %get3A_104 = arith.constant 0 : index
    %get3A_105 = vector.load %arg3[%get3A_103, %get3A_104] : memref<1536x200xf32, #tpu.memory_space<vmem>>, vector<128x200xf32>
    %dot_general3A_106 = arith.constant dense<0.000000e+00> : vector<1024x200xf32>
    %dot_general3A_107 = tpu.matmul %slice3A_102, %get3A_105, %dot_general3A_106 {dimension_numbers = #tpu.dot_dimension_numbers<[1], [0], [0], [1], [0, 0, 1, 1], [], []>, transpose_lhs_hint = false} : vector<1024x128xf32>, vector<128x200xf32>, vector<1024x200xf32> -> vector<1024x200xf32>
    %add3A_108 = arith.addf %add3A_101, %dot_general3A_107 : vector<1024x200xf32>
    %slice3A_109 = vector.extract_strided_slice %mul3A_71 {offsets = [5120, 0], sizes = [1024, 128], strides = [1, 1]} : vector<12288x128xf32> to vector<1024x128xf32>
    %get3A_110 = arith.constant 640 : index
    %get3A_111 = arith.constant 0 : index
    %get3A_112 = vector.load %arg3[%get3A_110, %get3A_111] : memref<1536x200xf32, #tpu.memory_space<vmem>>, vector<128x200xf32>
    %dot_general3A_113 = arith.constant dense<0.000000e+00> : vector<1024x200xf32>
    %dot_general3A_114 = tpu.matmul %slice3A_109, %get3A_112, %dot_general3A_113 {dimension_numbers = #tpu.dot_dimension_numbers<[1], [0], [0], [1], [0, 0, 1, 1], [], []>, transpose_lhs_hint = false} : vector<1024x128xf32>, vector<128x200xf32>, vector<1024x200xf32> -> vector<1024x200xf32>
    %add3A_115 = arith.addf %add3A_108, %dot_general3A_114 : vector<1024x200xf32>
    %slice3A_116 = vector.extract_strided_slice %mul3A_71 {offsets = [6144, 0], sizes = [1024, 128], strides = [1, 1]} : vector<12288x128xf32> to vector<1024x128xf32>
    %get3A_117 = arith.constant 768 : index
    %get3A_118 = arith.constant 0 : index
    %get3A_119 = vector.load %arg3[%get3A_117, %get3A_118] : memref<1536x200xf32, #tpu.memory_space<vmem>>, vector<128x200xf32>
    %dot_general3A_120 = arith.constant dense<0.000000e+00> : vector<1024x200xf32>
    %dot_general3A_121 = tpu.matmul %slice3A_116, %get3A_119, %dot_general3A_120 {dimension_numbers = #tpu.dot_dimension_numbers<[1], [0], [0], [1], [0, 0, 1, 1], [], []>, transpose_lhs_hint = false} : vector<1024x128xf32>, vector<128x200xf32>, vector<1024x200xf32> -> vector<1024x200xf32>
    %add3A_122 = arith.addf %add3A_115, %dot_general3A_121 : vector<1024x200xf32>
    %slice3A_123 = vector.extract_strided_slice %mul3A_71 {offsets = [7168, 0], sizes = [1024, 128], strides = [1, 1]} : vector<12288x128xf32> to vector<1024x128xf32>
    %get3A_124 = arith.constant 896 : index
    %get3A_125 = arith.constant 0 : index
    %get3A_126 = vector.load %arg3[%get3A_124, %get3A_125] : memref<1536x200xf32, #tpu.memory_space<vmem>>, vector<128x200xf32>
    %dot_general3A_127 = arith.constant dense<0.000000e+00> : vector<1024x200xf32>
    %dot_general3A_128 = tpu.matmul %slice3A_123, %get3A_126, %dot_general3A_127 {dimension_numbers = #tpu.dot_dimension_numbers<[1], [0], [0], [1], [0, 0, 1, 1], [], []>, transpose_lhs_hint = false} : vector<1024x128xf32>, vector<128x200xf32>, vector<1024x200xf32> -> vector<1024x200xf32>
    %add3A_129 = arith.addf %add3A_122, %dot_general3A_128 : vector<1024x200xf32>
    %slice3A_130 = vector.extract_strided_slice %mul3A_71 {offsets = [8192, 0], sizes = [1024, 128], strides = [1, 1]} : vector<12288x128xf32> to vector<1024x128xf32>
    %get3A_131 = arith.constant 1024 : index
    %get3A_132 = arith.constant 0 : index
    %get3A_133 = vector.load %arg3[%get3A_131, %get3A_132] : memref<1536x200xf32, #tpu.memory_space<vmem>>, vector<128x200xf32>
    %dot_general3A_134 = arith.constant dense<0.000000e+00> : vector<1024x200xf32>
    %dot_general3A_135 = tpu.matmul %slice3A_130, %get3A_133, %dot_general3A_134 {dimension_numbers = #tpu.dot_dimension_numbers<[1], [0], [0], [1], [0, 0, 1, 1], [], []>, transpose_lhs_hint = false} : vector<1024x128xf32>, vector<128x200xf32>, vector<1024x200xf32> -> vector<1024x200xf32>
    %add3A_136 = arith.addf %add3A_129, %dot_general3A_135 : vector<1024x200xf32>
    %slice3A_137 = vector.extract_strided_slice %mul3A_71 {offsets = [9216, 0], sizes = [1024, 128], strides = [1, 1]} : vector<12288x128xf32> to vector<1024x128xf32>
    %get3A_138 = arith.constant 1152 : index
    %get3A_139 = arith.constant 0 : index
    %get3A_140 = vector.load %arg3[%get3A_138, %get3A_139] : memref<1536x200xf32, #tpu.memory_space<vmem>>, vector<128x200xf32>
    %dot_general3A_141 = arith.constant dense<0.000000e+00> : vector<1024x200xf32>
    %dot_general3A_142 = tpu.matmul %slice3A_137, %get3A_140, %dot_general3A_141 {dimension_numbers = #tpu.dot_dimension_numbers<[1], [0], [0], [1], [0, 0, 1, 1], [], []>, transpose_lhs_hint = false} : vector<1024x128xf32>, vector<128x200xf32>, vector<1024x200xf32> -> vector<1024x200xf32>
    %add3A_143 = arith.addf %add3A_136, %dot_general3A_142 : vector<1024x200xf32>
    %slice3A_144 = vector.extract_strided_slice %mul3A_71 {offsets = [10240, 0], sizes = [1024, 128], strides = [1, 1]} : vector<12288x128xf32> to vector<1024x128xf32>
    %get3A_145 = arith.constant 1280 : index
    %get3A_146 = arith.constant 0 : index
    %get3A_147 = vector.load %arg3[%get3A_145, %get3A_146] : memref<1536x200xf32, #tpu.memory_space<vmem>>, vector<128x200xf32>
    %dot_general3A_148 = arith.constant dense<0.000000e+00> : vector<1024x200xf32>
    %dot_general3A_149 = tpu.matmul %slice3A_144, %get3A_147, %dot_general3A_148 {dimension_numbers = #tpu.dot_dimension_numbers<[1], [0], [0], [1], [0, 0, 1, 1], [], []>, transpose_lhs_hint = false} : vector<1024x128xf32>, vector<128x200xf32>, vector<1024x200xf32> -> vector<1024x200xf32>
    %add3A_150 = arith.addf %add3A_143, %dot_general3A_149 : vector<1024x200xf32>
    %slice3A_151 = vector.extract_strided_slice %mul3A_71 {offsets = [11264, 0], sizes = [1024, 128], strides = [1, 1]} : vector<12288x128xf32> to vector<1024x128xf32>
    %get3A_152 = arith.constant 1408 : index
    %get3A_153 = arith.constant 0 : index
    %get3A_154 = vector.load %arg3[%get3A_152, %get3A_153] : memref<1536x200xf32, #tpu.memory_space<vmem>>, vector<128x200xf32>
    %dot_general3A_155 = arith.constant dense<0.000000e+00> : vector<1024x200xf32>
    %dot_general3A_156 = tpu.matmul %slice3A_151, %get3A_154, %dot_general3A_155 {dimension_numbers = #tpu.dot_dimension_numbers<[1], [0], [0], [1], [0, 0, 1, 1], [], []>, transpose_lhs_hint = false} : vector<1024x128xf32>, vector<128x200xf32>, vector<1024x200xf32> -> vector<1024x200xf32>
    %add3A_157 = arith.addf %add3A_150, %dot_general3A_156 : vector<1024x200xf32>
    %swap3A = arith.constant 0 : index
    %swap3A_158 = arith.constant 0 : index
    %swap3A_159 = vector.load %arg22[%swap3A, %swap3A_158] : memref<1024x200xf32, #tpu.memory_space<vmem>>, vector<1024x200xf32>
    tpu.vector_store %arg22[%swap3A, %swap3A_158], %add3A_157 {strides = array<i32>} : memref<1024x200xf32, #tpu.memory_space<vmem>>, vector<1024x200xf32>,
    %eq3A_160 = arith.constant 5 : i32
    %eq3A_161 = arith.cmpi eq, %arg0, %eq3A_160 : i32
    %convert_element_type3A_162 = arith.extui %eq3A_161 : i1 to i32
    %cond3A_163 = arith.constant 0 : i32
    %cond3A_164 = arith.cmpi ne, %convert_element_type3A_162, %cond3A_163 : i32
    scf.if %cond3A_164 {
      %get3A_165 = arith.constant 0 : index
      %get3A_166 = arith.constant 0 : index
      %get3A_167 = vector.load %arg22[%get3A_165, %get3A_166] : memref<1024x200xf32, #tpu.memory_space<vmem>>, vector<1024x200xf32>
      %get3A_168 = arith.constant 0 : index
      %get3A_169 = arith.constant 0 : index
      %get3A_170 = vector.load %arg13[%get3A_168, %get3A_169] : memref<128x200xf32, #tpu.memory_space<vmem>>, vector<128x200xf32>
      %dot_general3A_171 = arith.constant dense<0.000000e+00> : vector<1024x200xf32>
      %dot_general3A_172 = tpu.matmul %get3A_3, %get3A_170, %dot_general3A_171 {dimension_numbers = #tpu.dot_dimension_numbers<[1], [0], [0], [1], [0, 0, 1, 1], [], []>, transpose_lhs_hint = false} : vector<1024x128xf32>, vector<128x200xf32>, vector<1024x200xf32> -> vector<1024x200xf32>
      %add3A_173 = arith.addf %get3A_167, %dot_general3A_172 : vector<1024x200xf32>
      %get3A_174 = arith.constant 0 : index
      %get3A_175 = arith.constant 0 : index
      %get3A_176 = vector.load %arg14[%get3A_174, %get3A_175] : memref<1x200xf32, #tpu.memory_space<vmem>>, vector<1x200xf32>
      %add3A_177 = vector.broadcast %get3A_176 : vector<1x200xf32> to vector<1024x200xf32>
      %add3A_178 = arith.addf %add3A_173, %add3A_177 : vector<1024x200xf32>
      %mul3A_179 = arith.constant 0.999994993 : f32
      %mul3A_180 = vector.broadcast %mul3A_179 : f32 to vector<1024x200xf32>
      %mul3A_181 = arith.mulf %add3A_178, %mul3A_180 : vector<1024x200xf32>
      %get3A_182 = arith.constant 0 : index
      %get3A_183 = arith.constant 0 : index
      %get3A_184 = vector.load %arg15[%get3A_182, %get3A_183] : memref<1x200xf32, #tpu.memory_space<vmem>>, vector<1x200xf32>
      %sqrt3A_185 = arith.constant 1.000000e+00 : f32
      %sqrt3A_186 = math.sqrt %sqrt3A_185 : f32
      %div3A_187 = vector.broadcast %sqrt3A_186 : f32 to vector<1024x200xf32>
      %div3A_188 = arith.divf %mul3A_181, %div3A_187 : vector<1024x200xf32>
      %logistic3A_189 = arith.negf %div3A_188 : vector<1024x200xf32>
      %logistic3A_190 = math.exp %logistic3A_189 : vector<1024x200xf32>
      %logistic3A_191 = arith.constant 1.000000e+00 : f32
      %logistic3A_192 = vector.broadcast %logistic3A_191 : f32 to vector<1024x200xf32>
      %logistic3A_193 = arith.addf %logistic3A_192, %logistic3A_190 : vector<1024x200xf32>
      %logistic3A_194 = arith.divf %logistic3A_192, %logistic3A_193 : vector<1024x200xf32>
      %sub3A_195 = arith.constant 1.000000e+00 : f32
      %sub3A_196 = vector.broadcast %sub3A_195 : f32 to vector<1024x200xf32>
      %sub3A_197 = arith.subf %sub3A_196, %logistic3A_194 : vector<1024x200xf32>
      %mul3A_198 = vector.broadcast %get3A_184 : vector<1x200xf32> to vector<1024x200xf32>
      %mul3A_199 = arith.mulf %mul3A_198, %sub3A_197 : vector<1024x200xf32>
      %mul3A_200 = arith.mulf %mul3A_199, %mul3A_181 : vector<1024x200xf32>
      %mul3A_201 = arith.mulf %logistic3A_194, %mul3A_181 : vector<1024x200xf32>
      %add3A_202 = arith.addf %mul3A_200, %mul3A_201 : vector<1024x200xf32>
      %get3A_203 = arith.constant 0 : index
      %get3A_204 = arith.constant 0 : index
      %get3A_205 = vector.load %arg16[%get3A_203, %get3A_204] : memref<200x80xf32, #tpu.memory_space<vmem>>, vector<200x80xf32>
      %dot_general3A_206 = arith.constant dense<0.000000e+00> : vector<1024x80xf32>
      %dot_general3A_207 = tpu.matmul %add3A_202, %get3A_205, %dot_general3A_206 {dimension_numbers = #tpu.dot_dimension_numbers<[1], [0], [0], [1], [0, 0, 1, 1], [], []>, transpose_lhs_hint = false} : vector<1024x200xf32>, vector<200x80xf32>, vector<1024x80xf32> -> vector<1024x80xf32>
      %get3A_208 = arith.constant 0 : index
      %get3A_209 = arith.constant 0 : index
      %get3A_210 = vector.load %arg17[%get3A_208, %get3A_209] : memref<1x80xf32, #tpu.memory_space<vmem>>, vector<1x80xf32>
      %add3A_211 = vector.broadcast %get3A_210 : vector<1x80xf32> to vector<1024x80xf32>
      %add3A_212 = arith.addf %dot_general3A_207, %add3A_211 : vector<1024x80xf32>
      %mul3A_213 = arith.constant 0.999994993 : f32
      %mul3A_214 = vector.broadcast %mul3A_213 : f32 to vector<1024x80xf32>
      %mul3A_215 = arith.mulf %add3A_212, %mul3A_214 : vector<1024x80xf32>
      %get3A_216 = arith.constant 0 : index
      %get3A_217 = arith.constant 0 : index
      %get3A_218 = vector.load %arg18[%get3A_216, %get3A_217] : memref<1x80xf32, #tpu.memory_space<vmem>>, vector<1x80xf32>
      %sqrt3A_219 = arith.constant 1.000000e+00 : f32
      %sqrt3A_220 = math.sqrt %sqrt3A_219 : f32
      %div3A_221 = vector.broadcast %sqrt3A_220 : f32 to vector<1024x80xf32>
      %div3A_222 = arith.divf %mul3A_215, %div3A_221 : vector<1024x80xf32>
      %logistic3A_223 = arith.negf %div3A_222 : vector<1024x80xf32>
      %logistic3A_224 = math.exp %logistic3A_223 : vector<1024x80xf32>
      %logistic3A_225 = arith.constant 1.000000e+00 : f32
      %logistic3A_226 = vector.broadcast %logistic3A_225 : f32 to vector<1024x80xf32>
      %logistic3A_227 = arith.addf %logistic3A_226, %logistic3A_224 : vector<1024x80xf32>
      %logistic3A_228 = arith.divf %logistic3A_226, %logistic3A_227 : vector<1024x80xf32>
      %sub3A_229 = arith.constant 1.000000e+00 : f32
      %sub3A_230 = vector.broadcast %sub3A_229 : f32 to vector<1024x80xf32>
      %sub3A_231 = arith.subf %sub3A_230, %logistic3A_228 : vector<1024x80xf32>
      %mul3A_232 = vector.broadcast %get3A_218 : vector<1x80xf32> to vector<1024x80xf32>
      %mul3A_233 = arith.mulf %mul3A_232, %sub3A_231 : vector<1024x80xf32>
      %mul3A_234 = arith.mulf %mul3A_233, %mul3A_215 : vector<1024x80xf32>
      %mul3A_235 = arith.mulf %logistic3A_228, %mul3A_215 : vector<1024x80xf32>
      %add3A_236 = arith.addf %mul3A_234, %mul3A_235 : vector<1024x80xf32>
      %get3A_237 = arith.constant 0 : index
      %get3A_238 = arith.constant 0 : index
      %get3A_239 = vector.load %arg19[%get3A_237, %get3A_238] : memref<80x1xf32, #tpu.memory_space<vmem>>, vector<80x1xf32>
      %dot_general3A_240 = arith.constant dense<0.000000e+00> : vector<1024x1xf32>
      %dot_general3A_241 = tpu.matmul %add3A_236, %get3A_239, %dot_general3A_240 {dimension_numbers = #tpu.dot_dimension_numbers<[1], [0], [0], [1], [0, 0, 1, 1], [], []>, transpose_lhs_hint = false} : vector<1024x80xf32>, vector<80x1xf32>, vector<1024x1xf32> -> vector<1024x1xf32>
      %get3A_242 = arith.constant 0 : index
      %get3A_243 = arith.constant 0 : index
      %get3A_244 = vector.load %arg20[%get3A_242, %get3A_243] : memref<1x1xf32, #tpu.memory_space<vmem>>, vector<1x1xf32>
      %add3A_245 = vector.broadcast %get3A_244 : vector<1x1xf32> to vector<1024x1xf32>
      %add3A_246 = arith.addf %dot_general3A_241, %add3A_245 : vector<1024x1xf32>
      %swap3A_247 = arith.constant 0 : index
      %swap3A_248 = arith.constant 0 : index
      %swap3A_249 = vector.load %arg21[%swap3A_247, %swap3A_248] : memref<1024x1xf32, #tpu.memory_space<vmem>>, vector<1024x1xf32>
      tpu.vector_store %arg21[%swap3A_247, %swap3A_248], %add3A_246 {strides = array<i32>} : memref<1024x1xf32, #tpu.memory_space<vmem>>, vector<1024x1xf32>,
    } else {
    }
    return
  }
  func.func @transform_0(%arg0: i32) -> (i32, i32) {
    %c0_i32 = arith.constant 0 : i32
    %c0_i32_0 = arith.constant 0 : i32
    return %arg0, %c0_i32 : i32, i32
  }
  func.func @transform_1(%arg0: i32) -> (i32, i32) {
    %c0_i32 = arith.constant 0 : i32
    %c0_i32_0 = arith.constant 0 : i32
    %c0_i32_1 = arith.constant 0 : i32
    return %c0_i32, %c0_i32_0 : i32, i32
  }
  func.func @transform_2(%arg0: i32) -> (i32, i32) {
    %c0_i32 = arith.constant 0 : i32
    %c0_i32_0 = arith.constant 0 : i32
    return %arg0, %c0_i32 : i32, i32
  }
  func.func @transform_3(%arg0: i32) -> (i32, i32) {
    %c0_i32 = arith.constant 0 : i32
    %c0_i32_0 = arith.constant 0 : i32
    %c0_i32_1 = arith.constant 0 : i32
    return %c0_i32, %c0_i32_0 : i32, i32
  }
  func.func @transform_4(%arg0: i32) -> (i32, i32) {
    %c0_i32 = arith.constant 0 : i32
    %c0_i32_0 = arith.constant 0 : i32
    %c0_i32_1 = arith.constant 0 : i32
    return %c0_i32, %c0_i32_0 : i32, i32
  }
  func.func @transform_5(%arg0: i32) -> (i32, i32) {
    %c0_i32 = arith.constant 0 : i32
    %c0_i32_0 = arith.constant 0 : i32
    %c0_i32_1 = arith.constant 0 : i32
    return %c0_i32, %c0_i32_0 : i32, i32
  }
  func.func @transform_6(%arg0: i32) -> (i32, i32) {
    %c0_i32 = arith.constant 0 : i32
    %c0_i32_0 = arith.constant 0 : i32
    %c0_i32_1 = arith.constant 0 : i32
    return %c0_i32, %c0_i32_0 : i32, i32
  }
  func.func @transform_7(%arg0: i32) -> (i32, i32) {
    %c0_i32 = arith.constant 0 : i32
    %c0_i32_0 = arith.constant 0 : i32
    %c0_i32_1 = arith.constant 0 : i32
    return %c0_i32, %c0_i32_0 : i32, i32
  }
  func.func @transform_8(%arg0: i32) -> (i32, i32) {
    %c0_i32 = arith.constant 0 : i32
    %c0_i32_0 = arith.constant 0 : i32
    %c0_i32_1 = arith.constant 0 : i32
    return %c0_i32, %c0_i32_0 : i32, i32
  }
  func.func @transform_9(%arg0: i32) -> (i32, i32) {
    %c0_i32 = arith.constant 0 : i32
    %c0_i32_0 = arith.constant 0 : i32
    %c0_i32_1 = arith.constant 0 : i32
    return %c0_i32, %c0_i32_0 : i32, i32
  }
  func.func @transform_10(%arg0: i32) -> (i32, i32) {
    %c0_i32 = arith.constant 0 : i32
    %c0_i32_0 = arith.constant 0 : i32
    %c0_i32_1 = arith.constant 0 : i32
    return %c0_i32, %c0_i32_0 : i32, i32
  }
  func.func @transform_11(%arg0: i32) -> (i32, i32) {
    %c0_i32 = arith.constant 0 : i32
    %c0_i32_0 = arith.constant 0 : i32
    %c0_i32_1 = arith.constant 0 : i32
    return %c0_i32, %c0_i32_0 : i32, i32
  }
  func.func @transform_12(%arg0: i32) -> (i32, i32) {
    %c0_i32 = arith.constant 0 : i32
    %c0_i32_0 = arith.constant 0 : i32
    %c0_i32_1 = arith.constant 0 : i32
    return %c0_i32, %c0_i32_0 : i32, i32
  }
  func.func @transform_13(%arg0: i32) -> (i32, i32) {
    %c0_i32 = arith.constant 0 : i32
    %c0_i32_0 = arith.constant 0 : i32
    %c0_i32_1 = arith.constant 0 : i32
    return %c0_i32, %c0_i32_0 : i32, i32
  }
  func.func @transform_14(%arg0: i32) -> (i32, i32) {
    %c0_i32 = arith.constant 0 : i32
    %c0_i32_0 = arith.constant 0 : i32
    %c0_i32_1 = arith.constant 0 : i32
    return %c0_i32, %c0_i32_0 : i32, i32
  }
  func.func @transform_15(%arg0: i32) -> (i32, i32) {
    %c0_i32 = arith.constant 0 : i32
    %c0_i32_0 = arith.constant 0 : i32
    %c0_i32_1 = arith.constant 0 : i32
    return %c0_i32, %c0_i32_0 : i32, i32
  }
  func.func @transform_16(%arg0: i32) -> (i32, i32) {
    %c0_i32 = arith.constant 0 : i32
    %c0_i32_0 = arith.constant 0 : i32
    %c0_i32_1 = arith.constant 0 : i32
    return %c0_i32, %c0_i32_0 : i32, i32
  }
  func.func @transform_17(%arg0: i32) -> (i32, i32) {
    %c0_i32 = arith.constant 0 : i32
    %c0_i32_0 = arith.constant 0 : i32
    %c0_i32_1 = arith.constant 0 : i32
    return %c0_i32, %c0_i32_0 : i32, i32
  }
  func.func @transform_18(%arg0: i32) -> (i32, i32) {
    %c0_i32 = arith.constant 0 : i32
    %c0_i32_0 = arith.constant 0 : i32
    %c0_i32_1 = arith.constant 0 : i32
    return %c0_i32, %c0_i32_0 : i32, i32
  }
  func.func @transform_19(%arg0: i32) -> (i32, i32) {
    %c0_i32 = arith.constant 0 : i32
    %c0_i32_0 = arith.constant 0 : i32
    %c0_i32_1 = arith.constant 0 : i32
    return %c0_i32, %c0_i32_0 : i32, i32
  }
  func.func @transform_20(%arg0: i32) -> (i32, i32) {
    %c0_i32 = arith.constant 0 : i32
    %c0_i32_0 = arith.constant 0 : i32
    %c0_i32_1 = arith.constant 0 : i32
    return %c0_i32, %c0_i32_0 : i32, i32
  }
}

</mosaic_0001>

<sc_bundles>
// kernel: kernel.5.cloned.1.call-start
scs
__scs_entry_jumppad:
0x0: {  	(pc) =	sbr.rel $0x88, $3  }
0x1: {  	(tag) =	ssettag $0x0;
	lr =	simm.s32 $0x1  }
0x2: {  	[smem:$0x3F8F] =	sst lr;
	_ =	strace $0xD0000000  }
0x3: {  	_ = 	snop  }
0x4: {  	_ = 	snop  }
0x5: {  	_ = 	snop  }
0x6: {  	_ = 	snop  }
0x7: {  	_ = 	snop  }
__scs_overlays_trampoline_lowered:
0x8: {  	[smem:$0x3F9E] =	sst s0  }
0x9: {  	[smem:$0x3F9F] =	sst s1  }
0xa: {  	[smem:$0x3FA0] =	sst s2  }
0xb: {  	[smem:$0x3FA1] =	sst s3  }
0xc: {  	[smem:$0x3FA2] =	sst s4  }
0xd: {  	[smem:$0x3FA3] =	sst s5  }
0xe: {  	[smem:$0x3FA4] =	sst s6  }
0xf: {  	[smem:$0x3FA5] =	sst s7  }
0x10: {  	[smem:$0x3FA6] =	sst s8  }
0x11: {  	[smem:$0x3FA7] =	sst s9;
	s0 =	simm.s32 @!p0 $0x0  }
0x12: {  	s1 =	sld [smem:$0x3F8D];
	s0 =	simm.s32 @p0 $0x1  }
0x13: {  	[smem:$0x3FA8] =	sst s0;
	s0 =	simm.s32 @!p1 $0x0  }
0x14: {  	s2 =	sld [smem:$0x3F8C];
	s0 =	simm.s32 @p1 $0x1  }
0x15: {  	[smem:$0x3FA9] =	sst s0;
	s0 =	simm.s32 @!p2 $0x0  }
0x16: {  	s3 =	sld [smem:$0x3FDB];
	s0 =	simm.s32 @p2 $0x1  }
0x17: {  	s4 =	simm.s32 $0x1BF5;
	[smem:$0x3FAB] =	sst s0  }
0x18: {  	s0 =	sld [smem:$0x3F8E];
	_ =	swait.ge [sflag:s4], $0x0  }
0x19: {  	s7 =	sld [smem:$0x3F8F]  }
0x1a: {  	s8 =	sadd.s32 $0xFFFFE003, lr  }
0x1b: {  	s9 =	sadd.s32 $0xFFFFFEF7, lr;
	s5 =	simm.s32 $0xFFFFFFFF;
	p2 =	slt.u32 s8, $0xFFFFF086  }
0x1c: {  	p1 =	slt.u32 s9, $0xF7A;
	s5 =	simm.s32 @!p2 $0x0  }
0x1d: {  	s5 =	simm.s32 @p1 $0x1;
	p0 =	seq.s32 s7, s2  }
0x1e: {  	s7 =	smul.u32 @!p0 $0xF7A, s2;
	p2 =	seq.s32 @!p0 s5, $0x0  }
0x1f: {  	s9 =	smul.u32 $0xF7A, s1;
	s8 =	simm.s32 @!p0 $0x1BF5;
	p2 =	por !p2, p0  }
0x20: {  	[sflag:s8] =	ssyncset.s32 @!p0 $0xFFFFF086;
	s6 =	sadd.s32 @!p0 s3, s7;
	s7 =	simm.s32 @!p0 $0x108  }
0x21: {  	s3 =	sadd.s32 s3, s9;
	s6 =	sadd.s32 @!p0 $0x88, s6;
	s7 =	simm.s32 @p2 $0x1082  }
0x22: {  	[simem:s7], [sflag:s8] =	dma.local @!p0 [hbm:s6], $0xF7A  }
0x23: {  	s9 =	sor.u32 $0xD0000000, s2;
	s6 =	simm.s32 $0x108;
	_ =	swait.ge @!p0 [sflag:s8], $0x0  }
0x24: {  	s3 =	sadd.s32 $0x88, s3;
	s6 =	simm.s32 @!p1 $0x1082;
	[sflag:s4] =	ssyncset.s32 $0xFFFFF086  }
0x25: {  	[simem:s6], [sflag:s4] =	dma.local [hbm:s3], $0xF7A  }
0x26: {  	[smem:$0x3F8F] =	sst s1;
	(tag) =	ssettag s2;
	_ =	strace s9  }
0x27: {  	s1 =	sld [smem:$0x3F9F]  }
0x28: {  	s2 =	sld [smem:$0x3FA0]  }
0x29: {  	s4 =	sld [smem:$0x3FA2]  }
0x2a: {  	p0 =	seq.s32 s5, $0x0;
	s5 =	sld [smem:$0x3FA3]  }
0x2b: {  	s6 =	sld [smem:$0x3FA4]  }
0x2c: {  	s7 =	sld [smem:$0x3FA5]  }
0x2d: {  	s3 =	simm.s32 $0x108;
	s8 =	sld [smem:$0x3FA6]  }
0x2e: {  	s3 =	simm.s32 @!p0 $0x1082;
	s9 =	sld [smem:$0x3FA7]  }
0x2f: {  	lr =	sadd.s32 s0, s3;
	s0 =	sld [smem:$0x3F9E]  }
0x30: {  	s3 =	sld [smem:$0x3FA1]  }
0x31: {  	[smem:$0x3FAA] =	sst s10  }
0x32: {  	s10 =	sld [smem:$0x3FA8];
	_ =	sdelay $0x3  }
0x33: {  	p0 =	seq.s32 s10, $0x1;
	s10 =	sld [smem:$0x3FAA];
	_ =	sdelay $0x3  }
0x34: {  	[smem:$0x3FAA] =	sst s10  }
0x35: {  	s10 =	sld [smem:$0x3FA9];
	_ =	sdelay $0x3  }
0x36: {  	p1 =	seq.s32 s10, $0x1;
	s10 =	sld [smem:$0x3FAA];
	_ =	sdelay $0x3  }
0x37: {  	[smem:$0x3FAA] =	sst s10  }
0x38: {  	s10 =	sld [smem:$0x3FAB]  }
0x39: {  	_ = 	snop;
	(pc) =	sbr.ind lr, $3  }
0x3a: {  	_ = 	snop  }
0x3b: {  	_ = 	snop  }
0x3c: {  	p2 =	seq.s32 s10, $0x1;
	s10 =	sld [smem:$0x3FAA]  }
0x3d: {  	_ =	shalt  }
0x3e: {  	_ =	shalt  }
0x3f: {  	_ =	shalt  }
0x40: {  	_ =	shalt  }
0x41: {  	_ =	shalt  }
0x42: {  	_ =	shalt  }
0x43: {  	_ =	shalt  }
0x44: {  	_ =	shalt  }
0x45: {  	_ =	shalt  }
0x46: {  	_ =	shalt  }
0x47: {  	_ =	shalt  }
0x48: {  	_ =	shalt  }
0x49: {  	_ =	shalt  }
0x4a: {  	_ =	shalt  }
0x4b: {  	_ =	shalt  }
0x4c: {  	_ =	shalt  }
0x4d: {  	_ =	shalt  }
0x4e: {  	_ =	shalt  }
0x4f: {  	_ =	shalt  }
0x50: {  	_ =	shalt  }
0x51: {  	_ =	shalt  }
0x52: {  	_ =	shalt  }
0x53: {  	_ =	shalt  }
0x54: {  	_ =	shalt  }
0x55: {  	_ =	shalt  }
0x56: {  	_ =	shalt  }
0x57: {  	_ =	shalt  }
0x58: {  	_ =	shalt  }
0x59: {  	_ =	shalt  }
0x5a: {  	_ =	shalt  }
0x5b: {  	_ =	shalt  }
0x5c: {  	_ =	shalt  }
0x5d: {  	_ =	shalt  }
0x5e: {  	_ =	shalt  }
0x5f: {  	_ =	shalt  }
0x60: {  	_ =	shalt  }
0x61: {  	_ =	shalt  }
0x62: {  	_ =	shalt  }
0x63: {  	_ =	shalt  }
0x64: {  	_ =	shalt  }
0x65: {  	_ =	shalt  }
0x66: {  	_ =	shalt  }
0x67: {  	_ =	shalt  }
0x68: {  	_ =	shalt  }
0x69: {  	_ =	shalt  }
0x6a: {  	_ =	shalt  }
0x6b: {  	_ =	shalt  }
0x6c: {  	_ =	shalt  }
0x6d: {  	_ =	shalt  }
0x6e: {  	_ =	shalt  }
0x6f: {  	_ =	shalt  }
0x70: {  	_ =	shalt  }
0x71: {  	_ =	shalt  }
0x72: {  	_ =	shalt  }
0x73: {  	_ =	shalt  }
0x74: {  	_ =	shalt  }
0x75: {  	_ =	shalt  }
0x76: {  	_ =	shalt  }
0x77: {  	_ =	shalt  }
0x78: {  	_ =	shalt  }
0x79: {  	_ =	shalt  }
0x7a: {  	_ =	shalt  }
0x7b: {  	_ =	shalt  }
0x7c: {  	_ =	shalt  }
0x7d: {  	_ =	shalt  }
0x7e: {  	_ =	shalt  }
0x7f: {  	_ =	shalt  }
0x80: {  	_ =	shalt  }
0x81: {  	_ =	shalt  }
0x82: {  	_ =	shalt  }
0x83: {  	_ =	shalt  }
0x84: {  	_ =	shalt  }
0x85: {  	_ =	shalt  }
0x86: {  	_ =	shalt  }
0x87: {  	_ =	shalt  }
.Lfunc_end0:
.L_simem_size_0:
called_computation_lowered:
.L_overlay_start_0:
0x88: {  	s2 =	sld [smem:$0x3FD9]  }
0x89: {  	s3 =	sld [smem:$0x3FFE];
	_ =	sdelay $0x1  }
0x8a: {  	s1 =	srdreg.scid  }
0x8b: {  	s0 =	sand.u32 $0x1, s1  }
0x8c: {  	s16 =	sshll.u32 s0, $0xA;
	s2 =	sadd.s32 s3, s2  }
0x8d: {  	s2 =	sadd.s32 s2, s16  }
0x8e: {  	[smem:$0x3FB6] =	sst s2  }
0x8f: {  	_ = 	snop  }
0x90: {  	(tm) =	ssettm $0x1  }
0x91: {  	s17 =	sld [smem:$0x3FFB];
	_ =	sdelay $0x3  }
0x92: {  	_ =	strace s17  }
0x93: {  	s2 =	sld [smem:$0x3FFC];
	_ =	sdelay $0x3  }
0x94: {  	_ =	strace s2  }
0x95: {  	s2 =	sld [smem:$0x3FFD];
	_ =	sdelay $0x3  }
0x96: {  	_ =	strace s2  }
0x97: {  	_ =	strace $0x8FFFFFFF  }
0x98: {  	s18 =	sld [smem:$0x3FDB];
	_ =	sdelay $0x1  }
0x99: {  	s19 =	simm.s32 $_scs_section_size  }
0x9a: {  	s4 =	simm.s32 $_size__tile_overlayer_lowered;
	s5 =	simm.s32 $_tile_overlayer_lowered  }
0x9b: {  	s22 =	simm.s32 $0x1BFF;
	s21 =	sshll.u32 s5, $0x1;
	s2 =	sadd.s32 s19, s18  }
0x9c: {  	s6 =	simm.s32 $0x0;
	s20 =	sshll.u32 s4, $0x1;
	s4 =	sadd.s32 s21, s2  }
0x9d: {  	[timem:s6], [sflag:s22] =	dma.local [hbm:s4], s20  }
0x9e: {  	_ =	swait.ge [sflag:s22], s20  }
0x9f: {  	s3 =	ssub.s32 $0x0, s20;
	[sflag:s22] =	ssyncset.done $0x0  }
0xa0: {  	[sflag:s22] =	ssyncadd.s32 s3;
	_ =	sdelay $0x1  }
0xa1: {  	s23 =	simm.s32 $0x1B8B  }
0xa2: {  	_ =	swait.ge [sflag:s23], $0x1  }
0xa3: {  	[sflag:s23] =	ssyncset.done $0x0  }
0xa4: {  	s25 =	simm.s32 $0x1B8E;
	s24 =	sld [smem:$0x3FFE];
	[sflag:s23] =	ssyncadd.s32 $0xFFFFFFFF  }
0xa5: {  	s26 =	simm.s32 $execute0_lowered;
	[smem:$0x3FD2] =	sst s25  }
0xa6: {  	s4 =	sshll.u32 s26, $0x1;
	_ =	strace $0x80000046;
	[dreg:$0x1] =	wrdreg $0xFFFFFFFF  }
0xa7: {  	s28 =	simm.s32 $_size_execute0_lowered;
	s2 =	sadd.s32 s2, s4;
	[dreg:$0x0] =	wrdreg $0x0  }
0xa8: {  	s4 =	sshll.u32 s28, $0x1;
	[dreg:$0x2] =	wrdreg s2  }
0xa9: {  	[dreg:$0x3] =	wrdreg s4  }
0xaa: {  	[dreg:$0x4] =	wrdreg $0xC0  }
0xab: {  	_ =	task [dreg:s6], $0x5FFFF  }
0xac: {  	[dreg:$0x1] =	wrdreg $0xFFFFFFFF  }
0xad: {  	[dreg:$0x0] =	wrdreg $0x60  }
0xae: {  	[dreg:$0x2] =	wrdreg s24  }
0xaf: {  	[dreg:$0x3] =	wrdreg $0x9  }
0xb0: {  	_ =	task.clear_ibuf [dreg:s6], $0x4FFFF;
	_ =	strace $0x90000046  }
0xb1: {  	s29 =	simm.s32 $0x9;
	_ =	strace $0x80000048  }
0xb2: {  	_ =	swait.ge [sflag:s29], $0x1  }
0xb3: {  	[sflag:s29] =	ssyncadd.s32 $0xFFFFFFFF  }
0xb4: {  	_ =	strace $0x90000048  }
0xb5: {  	_ =	sfence  }
0xb6: {  	s30 =	sld [smem:$0x0];
	_ =	sdelay $0x2  }
0xb7: {  	s31 =	sshll.u32 s1, $0xD;
	s1 =	sshrl.u32 s1, $0x2  }
0xb8: {  	s3 =	sand.u32 $0x4000, s31;
	s1 =	sadd.s32 s1, s30  }
0xb9: {  	s0 =	sor.u32 s3, s0;
	s1 =	sshll.u32 s1, $0x11  }
0xba: {  	s0 =	sor.u32 s1, s0  }
0xbb: {  	s0 =	sadd.s32 $0x8F2B, s0  }
0xbc: {  	[sflag:s0] =	ssyncadd.remote.s32 $0x1  }
0xbd: {  	_ =	sfence.sel $0xFFFF  }
0xbe: {  	[dreg:$0x0] =	wrdreg $0xFFFFFFFF;
	(pc) =	sbr.abs _section_cstart, $3  }
0xbf: {  	[dreg:$0x1] =	wrdreg $0xFFFFFFFF  }
0xc0: {  	_ =	task.clear_ibuf [dreg:s6], $0x2FFFF;
	_ =	strace $0x9FFFFFFF  }
0xc1: {  	(tm) =	ssettm $0x7FFFFFFF  }
tec
execute0_lowered:
.L_overlay_start_1:
0x0: {  	(tag) =	ssettag $0x1  }
0x1: {  	s4 =	rddreg [dreg:$0x0]  }
0x2: {  	s0 =	rddreg [dreg:$0x1]  }
0x3: {  	s2 =	simm.s32 $0x0;
	s1 =	stileid.u32;
	s3 =	srdreg.scid  }
0x4: {  	s13 =	simm.s32 $0x20;
	s14 =	simm.s32 $0x4100;
	s15 =	simm.s32 $0x0  }
0x5: {  	s5 =	smul.u32 $0x240, s1;
	s6 =	sand.u32 $0x1, s3;
	s25 =	sshll.u32 s1, $0x1  }
0x6: {  	[smem:$0x7FF] =	sst s2;
	s8 =	smul.u32 $0x12000, s1;
	s7 =	sor.u32 s6, s25  }
0x7: {  	_ =	strace $0x80000047;
	s10 =	ssub.s32 $0x2, s6;
	s11 =	smul.u32 $0x9000, s6  }
0x8: {  	s12 =	smul.u32 $0x120, s6;
	s9 =	sadd.s32 s5, s4;
	s3 =	sshll.u32 s7, $0x4  }
0x9: {  	s8 =	sadd.s32 s8, s4;
	s7 =	sshll.u32 s7, $0x9;
	s28 =	sshrl.u32 s10, $0x1  }
0xa: {  	s26 =	sadd.s32 s3, s4;
	s3 =	sadd.s32 $0x5600, s4;
	s7 =	sadd.s32 s7, s4  }
0xb: {  	s29 =	ssub.s32 s10, s28;
	s30 =	sadd.s32 s11, s8;
	s31 =	sadd.s32 s12, s9  }
0xc: {  	s9 =	simm.s32 $0x2;
	s10 =	simm.s32 $0x80;
	s11 =	simm.s32 $0x1  }
0xd: {  	s12 =	simm.s32 $0x4080;
	s4 =	sadd.s32 $0x5400, s26;
	s5 =	sadd.s32 $0xF47C00, s7  }
0xe: {  	s6 =	smax.u32 s29, $0x1;
	s7 =	sadd.s32 $0xF4BC00, s30;
	s8 =	sadd.s32 $0x2E00, s31  }
.LBB2_1:
0xf: {  	s16 =	sadd.s32 $0x0, s8  }
0x10: {  	[tilespmem:s2], [sflag:$0x2] =	stream.linear.gather [hbm4b:s16+s2], $0x80, $0x38;
	[tilespmem:$0x5100] =	vst v63  }
0x11: {  	_ =	swait.ge [sflag:s9], $0x80  }
0x12: {  	[sflag:s9] =	ssyncset.done $0x0  }
0x13: {  	[sflag:s9] =	ssyncadd.s32 $0xFFFFFF80  }
0x14: {  	[tilespmem:s10], [sflag:$0x1] =	stream.indirect.gather [hbm4b:s3+s10], $0x80, s2, s10, $0xb8;
	[tilespmem:$0x5100] =	vst v63  }
0x15: {  	_ =	swait.ge [sflag:s11], $0x4000  }
0x16: {  	[sflag:s11] =	ssyncset.done $0x0  }
0x17: {  	[sflag:s11] =	ssyncadd.s32 $0xFFFFC000  }
0x18: {  	[hbm4b:s7+s2] =	stream.linear.scatter [tilespmem:s10], [sflag:$0x2], $0x4000, $0x38;
	[tilespmem:$0x5100] =	vst v63  }
0x19: {  	s17 =	simm.s32 $0x10;
	_ =	swait.ge [sflag:s9], $0x4000  }
0x1a: {  	s18 =	simm.s32 $0x20;
	s16 =	sadd.s32 $0x800, s7;
	[sflag:s9] =	ssyncset.done $0x0  }
.LBB2_2:
0x1b: {  	s19 =	sadd.s32 s17, s8  }
0x1c: {  	[sflag:s9] =	ssyncadd.s32 $0xFFFFC000;
	s17 =	smov.u32 s18;
	s20 =	sadd.s32 $0x10, s18  }
0x1d: {  	[tilespmem:s2], [sflag:$0x2] =	stream.linear.gather [hbm4b:s19+s2], $0x80, $0x38;
	[tilespmem:$0x5100] =	vst v63  }
0x1e: {  	p0 =	sne.s32 s18, $0x110;
	_ =	swait.ge [sflag:s9], $0x80  }
0x1f: {  	[sflag:s9] =	ssyncset.done $0x0  }
0x20: {  	[sflag:s9] =	ssyncadd.s32 $0xFFFFFF80  }
0x21: {  	[tilespmem:s10], [sflag:$0x1] =	stream.indirect.gather [hbm4b:s3+s10], $0x80, s2, s10, $0xb8;
	[tilespmem:$0x5100] =	vst v63  }
0x22: {  	_ =	swait.ge [sflag:s11], $0x4000  }
.Ltmp0:
0x23: {  	[sflag:s11] =	ssyncset.done $0x0;
	(pc) =	sbr.rel @p0 .LBB2_2-.Ltmp0, $4  }
0x24: {  	[sflag:s11] =	ssyncadd.s32 $0xFFFFC000  }
0x25: {  	[hbm4b:s16+s2] =	stream.linear.scatter [tilespmem:s10], [sflag:$0x2], $0x4000, $0x38;
	[tilespmem:$0x5100] =	vst v63  }
0x26: {  	_ =	swait.ge [sflag:s9], $0x4000  }
0x27: {  	s18 =	smov.u32 s20;
	s16 =	sadd.s32 $0x800, s16;
	[sflag:s9] =	ssyncset.done $0x0  }
0x28: {  	s17 =	sadd.s32 s17, s8;
	[sflag:s9] =	ssyncadd.s32 $0xFFFFC000  }
0x29: {  	[tilespmem:s2], [sflag:$0x2] =	stream.linear.gather [hbm4b:s17+s2], $0x80, $0x38;
	[tilespmem:$0x5100] =	vst v63  }
0x2a: {  	_ =	swait.ge [sflag:s9], $0x80  }
0x2b: {  	[sflag:s9] =	ssyncset.done $0x0  }
0x2c: {  	[sflag:s9] =	ssyncadd.s32 $0xFFFFFF80  }
0x2d: {  	[tilespmem:s10], [sflag:$0x1] =	stream.indirect.gather [hbm4b:s3+s10], $0x80, s2, s10, $0xb8;
	[tilespmem:$0x5100] =	vst v63  }
0x2e: {  	_ =	swait.ge [sflag:s11], $0x4000  }
0x2f: {  	[sflag:s11] =	ssyncset.done $0x0  }
0x30: {  	[sflag:s11] =	ssyncadd.s32 $0xFFFFC000  }
0x31: {  	[hbm4b:s16+s2] =	stream.linear.scatter [tilespmem:s10], [sflag:$0x2], $0x4000, $0x38;
	[tilespmem:$0x5100] =	vst v63  }
0x32: {  	_ =	swait.ge [sflag:s9], $0x4000  }
0x33: {  	[sflag:s9] =	ssyncset.done $0x0  }
0x34: {  	[sflag:s9] =	ssyncadd.s32 $0xFFFFC000  }
0x35: {  	[tilespmem:s12], [sflag:$0x2] =	stream.linear.gather [hbm4b:s4+s2], $0x80, $0x38;
	[tilespmem:$0x5100] =	vst v63  }
0x36: {  	_ =	swait.ge [sflag:s9], $0x80  }
0x37: {  	[sflag:s9] =	ssyncset.done $0x0  }
0x38: {  	[sflag:s9] =	ssyncadd.s32 $0xFFFFFF80  }
0x39: {  	[tilespmem:s14], [sflag:$0x1] =	stream.indirect.gather [hbm4b:s3+s13], $0x80, s12, s13, $0xb8;
	[tilespmem:$0x5100] =	vst v63  }
0x3a: {  	s15 =	sadd.s32 $0x1, s15;
	_ =	swait.ge [sflag:s11], $0x1000  }
0x3b: {  	p0 =	sne.s32 s15, s6;
	[sflag:s11] =	ssyncset.done $0x0  }
.Ltmp1:
0x3c: {  	[sflag:s11] =	ssyncadd.s32 $0xFFFFF000;
	(pc) =	sbr.rel @p0 .LBB2_1-.Ltmp1, $4  }
0x3d: {  	[hbm4b:s5+s2] =	stream.linear.scatter [tilespmem:s14], [sflag:$0x2], $0x1000, $0x38;
	[tilespmem:$0x5100] =	vst v63  }
0x3e: {  	_ =	swait.ge [sflag:s9], $0x1000  }
0x3f: {  	[sflag:s9] =	ssyncset.done $0x0  }
0x40: {  	[sflag:s9] =	ssyncadd.s32 $0xFFFFF000  }
0x41: {  	_ =	sfence.sel $0x180000  }
0x42: {  	[bflag:$0x0] =	sbarrier.arrive $0xFFFF  }
0x43: {  	p0 =	sne.s32 s1, $0x0;
	_ =	strace $0x90000047  }
0x44: {  	s0 =	sadd.s32 @!p0 $0x100000, s0;
	[bflag:$0x2] =	sbarrier.arrive $0xFFFF  }
0x45: {  	[sflag:s0] =	ssyncadd.tile.s32 @!p0 $0x1;
	_ =	shalt  }
.Lfunc_end2:
_tile_overlayer_lowered:
.L_overlay_start_2:
0x46: {  	(tag) =	ssettag $0x2  }
0x47: {  	s0 =	rddreg [dreg:$0x0];
	s2 =	stileid.u32  }
0x48: {  	s1 =	rddreg [dreg:$0x1];
	p0 =	sne.s32 s2, $0x0  }
0x49: {  	s3 =	rddreg [dreg:$0x2];
	[bflag:$0x3] =	sbarrier.arrive $0xFFFF;
	s2 =	simm.s32 @!p0 $0x1C02  }
0x4a: {  	[timem:s3], [sflag:s2] =	dma.local @!p0 [hbm:s0], s1  }
0x4b: {  	s0 =	simm.s32 @!p0 $0x2  }
0x4c: {  	_ =	swait.ge @!p0 [sflag:s0], s1  }
0x4d: {  	s1 =	ssub.s32 @!p0 $0x0, s1;
	[sflag:s0] =	ssyncset.done @!p0 $0x0  }
0x4e: {  	[sflag:s0] =	ssyncadd.s32 @!p0 s1  }
0x4f: {  	[bflag:$0x3] =	sbarrier.arrive $0xFFFF  }
0x50: {  	_ =	shalt  }

</sc_bundles>
